<compile_context>
chip_gen: v7x
topology: tpu7x:2x2x1
jax: 0.10.2.dev20260603
libtpu: 0.0.44.dev20260713+nightly
codegen_flags: <defaults>
</compile_context>

<pallas_src>
import functools

import jax
import jax.numpy as jnp
from jax import lax
from jax.experimental import pallas as pl
from jax.experimental.pallas import tpu as pltpu
from jax.experimental.pallas import tpu_sc as plsc

N_BINS = 15
_NW = 32
_LANES = 16
_NPIECE = 4


def _piece_sizes(total, nb):
    per = total // nb // _LANES * _LANES
    sizes = [per] * nb
    rem = total - per * nb
    i = 0
    while rem > 0:
        sizes[i % nb] += _LANES
        rem -= _LANES
        i += 1
    return [s for s in sizes if s > 0]


def _sc_hist(conf, pred, lab, ch, tail):
    sizes = _piece_sizes(ch, _NPIECE)
    offs = [sum(sizes[:i]) for i in range(len(sizes))]
    ps = max(sizes)
    ntail = tail // _LANES
    mesh = plsc.VectorSubcoreMesh(core_axis_name="c", subcore_axis_name="s")
    hsz = 512

    @functools.partial(
        pl.kernel, mesh=mesh,
        out_type=jax.ShapeDtypeStruct((_NW * hsz,), jnp.float32),
        scratch_types=[
            pltpu.VMEM((ps,), jnp.float32),
            pltpu.VMEM((ps,), jnp.int32),
            pltpu.VMEM((ps,), jnp.int32),
            pltpu.VMEM((ps,), jnp.float32),
            pltpu.VMEM((ps,), jnp.int32),
            pltpu.VMEM((ps,), jnp.int32),
            pltpu.VMEM((max(tail, _LANES),), jnp.float32),
            pltpu.VMEM((max(tail, _LANES),), jnp.int32),
            pltpu.VMEM((max(tail, _LANES),), jnp.int32),
            pltpu.VMEM((hsz,), jnp.float32),
            pltpu.SemaphoreType.DMA,
            pltpu.SemaphoreType.DMA,
            pltpu.SemaphoreType.DMA,
        ],
        compiler_params=pltpu.CompilerParams(needs_layout_passes=False),
    )
    def k(conf_hbm, pred_hbm, lab_hbm, out_hbm,
          conf_a, pred_a, lab_a, conf_b, pred_b, lab_b,
          tconf_v, tpred_v, tlab_v, hist_v, sem0, sem1, sem2):
        sems = [sem0, sem1]
        bufs = [(conf_a, pred_a, lab_a), (conf_b, pred_b, lab_b)]
        wid = lax.axis_index("s") * 2 + lax.axis_index("c")
        base = wid * ch

        def start_piece(p, slot):
            off = base + offs[p]
            sz = sizes[p]
            cv, pv, lv = bufs[slot]
            return [
                pltpu.async_copy(conf_hbm.at[pl.ds(off, sz)],
                                 cv.at[pl.ds(0, sz)], sems[slot]),
                pltpu.async_copy(pred_hbm.at[pl.ds(off, sz)],
                                 pv.at[pl.ds(0, sz)], sems[slot]),
                pltpu.async_copy(lab_hbm.at[pl.ds(off, sz)],
                                 lv.at[pl.ds(0, sz)], sems[slot]),
            ]

        handles = start_piece(0, 0)
        tail_handles = []
        if ntail:
            tbase = _NW * ch
            tail_handles = [
                pltpu.async_copy(conf_hbm.at[pl.ds(tbase, tail)],
                                 tconf_v.at[pl.ds(0, tail)], sem2),
                pltpu.async_copy(pred_hbm.at[pl.ds(tbase, tail)],
                                 tpred_v.at[pl.ds(0, tail)], sem2),
                pltpu.async_copy(lab_hbm.at[pl.ds(tbase, tail)],
                                 tlab_v.at[pl.ds(0, tail)], sem2),
            ]

        zf = jnp.zeros((_LANES,), jnp.float32)
        for r in range(hsz // _LANES):
            hist_v[pl.ds(r * _LANES, _LANES)] = zf
        col = lax.iota(jnp.int32, _LANES)
        onesf = jnp.ones((_LANES,), jnp.float32)
        onespk = jnp.full((_LANES,), 1.0 + 1.0 / 4096.0, jnp.float32)
        i0 = jnp.zeros((_LANES,), jnp.int32)
        i14 = jnp.full((_LANES,), N_BINS - 1, jnp.int32)
        i240 = jnp.full((_LANES,), N_BINS * _LANES, jnp.int32)
        f15 = jnp.full((_LANES,), 15.0, jnp.float32)

        def chunk(cref, pref, lref, href, s):
            c = cref[pl.ds(s, _LANES)]
            p = pref[pl.ds(s, _LANES)]
            l = lref[pl.ds(s, _LANES)]
            v = jnp.where(p == l, onespk, onesf)
            t = (c * f15).astype(jnp.int32)
            valid = c > zf
            row = jnp.minimum(jnp.maximum(t, i0), i14)
            flat = row * _LANES + col
            plsc.addupdate_scatter(href, [flat], v, mask=valid)
            plsc.addupdate_scatter(href, [flat + i240], c, mask=valid)

        for p in range(len(sizes)):
            slot = p % 2
            for h in handles:
                h.wait()
            if p + 1 < len(sizes):
                handles = start_piece(p + 1, (p + 1) % 2)
            cref, pref, lref = bufs[slot]

            @plsc.parallel_loop(0, sizes[p], step=_LANES, unroll=8)
            def _(s):
                chunk(cref, pref, lref, hist_v, s)

        if ntail:
            for h in tail_handles:
                h.wait()

            @pl.when(wid == _NW - 1)
            def _():
                @plsc.parallel_loop(0, ntail * _LANES, step=_LANES)
                def _(s):
                    chunk(tconf_v, tpred_v, tlab_v, hist_v, s)

        pltpu.sync_copy(hist_v, out_hbm.at[pl.ds(wid * hsz, hsz)])

    return k(conf, pred, lab)


def _ece_body(p_ref, o_ref, *, n_total):
    x = p_ref[...]
    rr = jax.lax.broadcasted_iota(jnp.int32, (128, 128), 0) % 4
    cc = jax.lax.broadcasted_iota(jnp.int32, (128, 128), 1)
    r = rr * 8 + cc // 16
    ispk = r < N_BINS
    isconf = (r >= N_BINS) & (r < 2 * N_BINS)
    fl = jnp.floor(x)
    cc_e = jnp.where(ispk, fl, jnp.where(isconf, x, 0.0))
    acc_e = jnp.where(ispk, (x - fl) * 4096.0, 0.0)

    def redu(z):
        z1 = jnp.sum(z.reshape(32, 4, 128), axis=0)
        z2 = jnp.sum(z1.reshape(4, 8, 16), axis=-1)
        return z2.reshape(32, 1)

    ccr = redu(cc_e)
    cnt = ccr[0:N_BINS]
    sconf = ccr[N_BINS:2 * N_BINS]
    sacc = redu(acc_e)[0:N_BINS]
    safe = jnp.maximum(cnt, 1.0)
    prop = cnt / n_total
    contrib = jnp.abs(sconf / safe - sacc / safe) * prop
    ece = jnp.sum(jnp.where(prop > 0.0, contrib, 0.0))
    o_ref[0] = ece


def kernel(confidences, predictions, labels):
    n = confidences.shape[0]
    conf = confidences.astype(jnp.float32)
    pred = predictions.astype(jnp.int32)
    lab = labels.astype(jnp.int32)
    if n % _LANES:
        npad = -(-n // _LANES) * _LANES
        conf = jnp.pad(conf, (0, npad - n))
        pred = jnp.pad(pred, (0, npad - n))
        lab = jnp.pad(lab, (0, npad - n))
        m = npad
    else:
        m = n
    ch = (m // (_NW * _LANES)) * _LANES
    tail = m - _NW * ch

    flat = _sc_hist(conf, pred, lab, ch, tail)
    parts = flat.reshape(128, 128)

    ece = pl.pallas_call(
        functools.partial(_ece_body, n_total=float(n)),
        out_shape=jax.ShapeDtypeStruct((1,), jnp.float32),
        out_specs=pl.BlockSpec(memory_space=pltpu.SMEM),
    )(parts)
    return ece

# --- scband reference (transcript-rebuilt; emitter-appended) ---
"""Pipeline reference for scband-eceloss-fixed-60653528154576 (READ-ONLY COPY).

The authoritative reference and input builder live on the scoring server;
editing this copy changes nothing except your own understanding.
"""

import jax, jax.numpy as jnp
import numpy as np

N_BINS = 15

def setup_inputs(seed: int = 0) -> dict:
    key = jax.random.key(seed)
    k1, k2, k3 = jax.random.split(key, 3)
    N = 1000000
    confidences = jax.random.uniform(k1, (N,), dtype=jnp.float32)
    predictions = jax.random.randint(k2, (N,), 0, 1000, dtype=jnp.int64)
    labels = jax.random.randint(k3, (N,), 0, 1000, dtype=jnp.int64)
    return {"confidences": confidences, "predictions": predictions, "labels": labels}

def reference(confidences, predictions, labels):
    bin_boundaries = jnp.linspace(0.0, 1.0, N_BINS + 1)
    bin_lowers = bin_boundaries[:-1]
    bin_uppers = bin_boundaries[1:]
    accuracies = (predictions == labels).astype(jnp.float32)
    ece = jnp.zeros((1,), dtype=jnp.float32)
    for i in range(N_BINS):
        bin_lower = bin_lowers[i]
        bin_upper = bin_uppers[i]
        in_bin = (confidences > bin_lower) & (confidences <= bin_upper)
        in_bin_f = in_bin.astype(jnp.float32)
        prop_in_bin = jnp.mean(in_bin_f)
        cnt = jnp.sum(in_bin_f)
        safe_cnt = jnp.maximum(cnt, 1.0)
        accuracy_in_bin = jnp.sum(accuracies * in_bin_f) / safe_cnt
        avg_confidence_in_bin = jnp.sum(confidences * in_bin_f) / safe_cnt
        contrib = jnp.abs(avg_confidence_in_bin - accuracy_in_bin) * prop_in_bin
        ece = ece + jnp.where(prop_in_bin > 0, contrib, 0.0)
    return ece

if __name__ == "__main__":
    import jax
    _d = setup_inputs()
    print(jax.jit(kernel)(*tuple(_d.values())))

</pallas_src>

<mosaic_0001>
#map = affine_map<(d0, d1) -> (0)>
module attributes {stable_mosaic.version = 14 : i64} {
  func.func @k(%arg0: i32, %arg1: i32, %arg2: memref<1000000xf32, #tpu.memory_space<hbm>>, %arg3: memref<1000000xi32, #tpu.memory_space<hbm>>, %arg4: memref<1000000xi32, #tpu.memory_space<hbm>>, %arg5: memref<16384xf32, #tpu.memory_space<hbm>>, %arg6: memref<7824xf32, #tpu.memory_space<vmem>>, %arg7: memref<7824xi32, #tpu.memory_space<vmem>>, %arg8: memref<7824xi32, #tpu.memory_space<vmem>>, %arg9: memref<7824xf32, #tpu.memory_space<vmem>>, %arg10: memref<7824xi32, #tpu.memory_space<vmem>>, %arg11: memref<7824xi32, #tpu.memory_space<vmem>>, %arg12: memref<64xf32, #tpu.memory_space<vmem>>, %arg13: memref<64xi32, #tpu.memory_space<vmem>>, %arg14: memref<64xi32, #tpu.memory_space<vmem>>, %arg15: memref<512xf32, #tpu.memory_space<vmem>>, %arg16: memref<!tpu.dma_semaphore, #tpu.memory_space<semaphore_mem>>, %arg17: memref<!tpu.dma_semaphore, #tpu.memory_space<semaphore_mem>>, %arg18: memref<!tpu.dma_semaphore, #tpu.memory_space<semaphore_mem>>) attributes {dimension_semantics = [#tpu.dimension_semantics<core_parallel>, #tpu.dimension_semantics<subcore_parallel>], iteration_bounds = array<i64: 2, 16>, scalar_prefetch = 0 : i64, scratch_operands = 13 : i64, tpu.core_type = #tpu.core_type<sc_vector_subcore>, window_params = [{transform_indices = #map}, {transform_indices = #map}, {transform_indices = #map}, {transform_indices = #map}]} {
    %mul3A = arith.constant 2 : i32
    %mul3A_0 = arith.muli %arg1, %mul3A : i32
    %add3A = arith.addi %mul3A_0, %arg0 : i32
    %mul3A_1 = arith.constant 31248 : i32
    %mul3A_2 = arith.muli %add3A, %mul3A_1 : i32
    %add3A_3 = arith.constant 0 : i32
    %add3A_4 = arith.addi %mul3A_2, %add3A_3 : i32
    %dma_start3A = arith.constant 0 : i32
    %dma_start3A_5 = tpu.memref_slice %arg6[%dma_start3A] : memref<7824xf32, #tpu.memory_space<vmem>> -> memref<7824xf32, #tpu.memory_space<vmem>>
    %dma_start3A_6 = tpu.memref_slice %arg2[%add3A_4] : memref<1000000xf32, #tpu.memory_space<hbm>> -> memref<7824xf32, #tpu.memory_space<hbm>>
    %dma_start3A_7 = arith.constant 0 : i32
    %dma_start3A_8 = tpu.memref_slice %arg6[%dma_start3A_7] : memref<7824xf32, #tpu.memory_space<vmem>> -> memref<7824xf32, #tpu.memory_space<vmem>>
    %dma_start3A_9 = tpu.memref_slice %arg2[%add3A_4] : memref<1000000xf32, #tpu.memory_space<hbm>> -> memref<7824xf32, #tpu.memory_space<hbm>>
    tpu.enqueue_dma source(%dma_start3A_9 : memref<7824xf32, #tpu.memory_space<hbm>>) target(%dma_start3A_8 : memref<7824xf32, #tpu.memory_space<vmem>>) target_semaphore(%arg16 : memref<!tpu.dma_semaphore, #tpu.memory_space<semaphore_mem>>)
    %dma_start3A_10 = arith.constant 0 : i32
    %dma_start3A_11 = tpu.memref_slice %arg7[%dma_start3A_10] : memref<7824xi32, #tpu.memory_space<vmem>> -> memref<7824xi32, #tpu.memory_space<vmem>>
    %dma_start3A_12 = tpu.memref_slice %arg3[%add3A_4] : memref<1000000xi32, #tpu.memory_space<hbm>> -> memref<7824xi32, #tpu.memory_space<hbm>>
    %dma_start3A_13 = arith.constant 0 : i32
    %dma_start3A_14 = tpu.memref_slice %arg7[%dma_start3A_13] : memref<7824xi32, #tpu.memory_space<vmem>> -> memref<7824xi32, #tpu.memory_space<vmem>>
    %dma_start3A_15 = tpu.memref_slice %arg3[%add3A_4] : memref<1000000xi32, #tpu.memory_space<hbm>> -> memref<7824xi32, #tpu.memory_space<hbm>>
    tpu.enqueue_dma source(%dma_start3A_15 : memref<7824xi32, #tpu.memory_space<hbm>>) target(%dma_start3A_14 : memref<7824xi32, #tpu.memory_space<vmem>>) target_semaphore(%arg16 : memref<!tpu.dma_semaphore, #tpu.memory_space<semaphore_mem>>)
    %dma_start3A_16 = arith.constant 0 : i32
    %dma_start3A_17 = tpu.memref_slice %arg8[%dma_start3A_16] : memref<7824xi32, #tpu.memory_space<vmem>> -> memref<7824xi32, #tpu.memory_space<vmem>>
    %dma_start3A_18 = tpu.memref_slice %arg4[%add3A_4] : memref<1000000xi32, #tpu.memory_space<hbm>> -> memref<7824xi32, #tpu.memory_space<hbm>>
    %dma_start3A_19 = arith.constant 0 : i32
    %dma_start3A_20 = tpu.memref_slice %arg8[%dma_start3A_19] : memref<7824xi32, #tpu.memory_space<vmem>> -> memref<7824xi32, #tpu.memory_space<vmem>>
    %dma_start3A_21 = tpu.memref_slice %arg4[%add3A_4] : memref<1000000xi32, #tpu.memory_space<hbm>> -> memref<7824xi32, #tpu.memory_space<hbm>>
    tpu.enqueue_dma source(%dma_start3A_21 : memref<7824xi32, #tpu.memory_space<hbm>>) target(%dma_start3A_20 : memref<7824xi32, #tpu.memory_space<vmem>>) target_semaphore(%arg16 : memref<!tpu.dma_semaphore, #tpu.memory_space<semaphore_mem>>)
    %dma_start3A_22 = arith.constant 0 : i32
    %dma_start3A_23 = tpu.memref_slice %arg12[%dma_start3A_22] : memref<64xf32, #tpu.memory_space<vmem>> -> memref<64xf32, #tpu.memory_space<vmem>>
    %dma_start3A_24 = arith.constant 999936 : i32
    %dma_start3A_25 = tpu.memref_slice %arg2[%dma_start3A_24] : memref<1000000xf32, #tpu.memory_space<hbm>> -> memref<64xf32, #tpu.memory_space<hbm>>
    %dma_start3A_26 = arith.constant 0 : i32
    %dma_start3A_27 = tpu.memref_slice %arg12[%dma_start3A_26] : memref<64xf32, #tpu.memory_space<vmem>> -> memref<64xf32, #tpu.memory_space<vmem>>
    %dma_start3A_28 = arith.constant 999936 : i32
    %dma_start3A_29 = tpu.memref_slice %arg2[%dma_start3A_28] : memref<1000000xf32, #tpu.memory_space<hbm>> -> memref<64xf32, #tpu.memory_space<hbm>>
    tpu.enqueue_dma source(%dma_start3A_29 : memref<64xf32, #tpu.memory_space<hbm>>) target(%dma_start3A_27 : memref<64xf32, #tpu.memory_space<vmem>>) target_semaphore(%arg18 : memref<!tpu.dma_semaphore, #tpu.memory_space<semaphore_mem>>)
    %dma_start3A_30 = arith.constant 0 : i32
    %dma_start3A_31 = tpu.memref_slice %arg13[%dma_start3A_30] : memref<64xi32, #tpu.memory_space<vmem>> -> memref<64xi32, #tpu.memory_space<vmem>>
    %dma_start3A_32 = arith.constant 999936 : i32
    %dma_start3A_33 = tpu.memref_slice %arg3[%dma_start3A_32] : memref<1000000xi32, #tpu.memory_space<hbm>> -> memref<64xi32, #tpu.memory_space<hbm>>
    %dma_start3A_34 = arith.constant 0 : i32
    %dma_start3A_35 = tpu.memref_slice %arg13[%dma_start3A_34] : memref<64xi32, #tpu.memory_space<vmem>> -> memref<64xi32, #tpu.memory_space<vmem>>
    %dma_start3A_36 = arith.constant 999936 : i32
    %dma_start3A_37 = tpu.memref_slice %arg3[%dma_start3A_36] : memref<1000000xi32, #tpu.memory_space<hbm>> -> memref<64xi32, #tpu.memory_space<hbm>>
    tpu.enqueue_dma source(%dma_start3A_37 : memref<64xi32, #tpu.memory_space<hbm>>) target(%dma_start3A_35 : memref<64xi32, #tpu.memory_space<vmem>>) target_semaphore(%arg18 : memref<!tpu.dma_semaphore, #tpu.memory_space<semaphore_mem>>)
    %dma_start3A_38 = arith.constant 0 : i32
    %dma_start3A_39 = tpu.memref_slice %arg14[%dma_start3A_38] : memref<64xi32, #tpu.memory_space<vmem>> -> memref<64xi32, #tpu.memory_space<vmem>>
    %dma_start3A_40 = arith.constant 999936 : i32
    %dma_start3A_41 = tpu.memref_slice %arg4[%dma_start3A_40] : memref<1000000xi32, #tpu.memory_space<hbm>> -> memref<64xi32, #tpu.memory_space<hbm>>
    %dma_start3A_42 = arith.constant 0 : i32
    %dma_start3A_43 = tpu.memref_slice %arg14[%dma_start3A_42] : memref<64xi32, #tpu.memory_space<vmem>> -> memref<64xi32, #tpu.memory_space<vmem>>
    %dma_start3A_44 = arith.constant 999936 : i32
    %dma_start3A_45 = tpu.memref_slice %arg4[%dma_start3A_44] : memref<1000000xi32, #tpu.memory_space<hbm>> -> memref<64xi32, #tpu.memory_space<hbm>>
    tpu.enqueue_dma source(%dma_start3A_45 : memref<64xi32, #tpu.memory_space<hbm>>) target(%dma_start3A_43 : memref<64xi32, #tpu.memory_space<vmem>>) target_semaphore(%arg18 : memref<!tpu.dma_semaphore, #tpu.memory_space<semaphore_mem>>)
    %broadcast_in_dim3A = arith.constant 0.000000e+00 : f32
    %broadcast_in_dim3A_46 = vector.broadcast %broadcast_in_dim3A : f32 to vector<16xf32>
    %swap3A = arith.constant 0 : index
    %swap3A_47 = tpu.vector_load %arg15[%swap3A] {strides = array<i32>} : memref<512xf32, #tpu.memory_space<vmem>>, vector<16xf32>,
    tpu.vector_store %arg15[%swap3A], %broadcast_in_dim3A_46 {strides = array<i32>} : memref<512xf32, #tpu.memory_space<vmem>>, vector<16xf32>,
    %swap3A_48 = arith.constant 16 : index
    %swap3A_49 = tpu.vector_load %arg15[%swap3A_48] {strides = array<i32>} : memref<512xf32, #tpu.memory_space<vmem>>, vector<16xf32>,
    tpu.vector_store %arg15[%swap3A_48], %broadcast_in_dim3A_46 {strides = array<i32>} : memref<512xf32, #tpu.memory_space<vmem>>, vector<16xf32>,
    %swap3A_50 = arith.constant 32 : index
    %swap3A_51 = tpu.vector_load %arg15[%swap3A_50] {strides = array<i32>} : memref<512xf32, #tpu.memory_space<vmem>>, vector<16xf32>,
    tpu.vector_store %arg15[%swap3A_50], %broadcast_in_dim3A_46 {strides = array<i32>} : memref<512xf32, #tpu.memory_space<vmem>>, vector<16xf32>,
    %swap3A_52 = arith.constant 48 : index
    %swap3A_53 = tpu.vector_load %arg15[%swap3A_52] {strides = array<i32>} : memref<512xf32, #tpu.memory_space<vmem>>, vector<16xf32>,
    tpu.vector_store %arg15[%swap3A_52], %broadcast_in_dim3A_46 {strides = array<i32>} : memref<512xf32, #tpu.memory_space<vmem>>, vector<16xf32>,
    %swap3A_54 = arith.constant 64 : index
    %swap3A_55 = tpu.vector_load %arg15[%swap3A_54] {strides = array<i32>} : memref<512xf32, #tpu.memory_space<vmem>>, vector<16xf32>,
    tpu.vector_store %arg15[%swap3A_54], %broadcast_in_dim3A_46 {strides = array<i32>} : memref<512xf32, #tpu.memory_space<vmem>>, vector<16xf32>,
    %swap3A_56 = arith.constant 80 : index
    %swap3A_57 = tpu.vector_load %arg15[%swap3A_56] {strides = array<i32>} : memref<512xf32, #tpu.memory_space<vmem>>, vector<16xf32>,
    tpu.vector_store %arg15[%swap3A_56], %broadcast_in_dim3A_46 {strides = array<i32>} : memref<512xf32, #tpu.memory_space<vmem>>, vector<16xf32>,
    %swap3A_58 = arith.constant 96 : index
    %swap3A_59 = tpu.vector_load %arg15[%swap3A_58] {strides = array<i32>} : memref<512xf32, #tpu.memory_space<vmem>>, vector<16xf32>,
    tpu.vector_store %arg15[%swap3A_58], %broadcast_in_dim3A_46 {strides = array<i32>} : memref<512xf32, #tpu.memory_space<vmem>>, vector<16xf32>,
    %swap3A_60 = arith.constant 112 : index
    %swap3A_61 = tpu.vector_load %arg15[%swap3A_60] {strides = array<i32>} : memref<512xf32, #tpu.memory_space<vmem>>, vector<16xf32>,
    tpu.vector_store %arg15[%swap3A_60], %broadcast_in_dim3A_46 {strides = array<i32>} : memref<512xf32, #tpu.memory_space<vmem>>, vector<16xf32>,
    %swap3A_62 = arith.constant 128 : index
    %swap3A_63 = tpu.vector_load %arg15[%swap3A_62] {strides = array<i32>} : memref<512xf32, #tpu.memory_space<vmem>>, vector<16xf32>,
    tpu.vector_store %arg15[%swap3A_62], %broadcast_in_dim3A_46 {strides = array<i32>} : memref<512xf32, #tpu.memory_space<vmem>>, vector<16xf32>,
    %swap3A_64 = arith.constant 144 : index
    %swap3A_65 = tpu.vector_load %arg15[%swap3A_64] {strides = array<i32>} : memref<512xf32, #tpu.memory_space<vmem>>, vector<16xf32>,
    tpu.vector_store %arg15[%swap3A_64], %broadcast_in_dim3A_46 {strides = array<i32>} : memref<512xf32, #tpu.memory_space<vmem>>, vector<16xf32>,
    %swap3A_66 = arith.constant 160 : index
    %swap3A_67 = tpu.vector_load %arg15[%swap3A_66] {strides = array<i32>} : memref<512xf32, #tpu.memory_space<vmem>>, vector<16xf32>,
    tpu.vector_store %arg15[%swap3A_66], %broadcast_in_dim3A_46 {strides = array<i32>} : memref<512xf32, #tpu.memory_space<vmem>>, vector<16xf32>,
    %swap3A_68 = arith.constant 176 : index
    %swap3A_69 = tpu.vector_load %arg15[%swap3A_68] {strides = array<i32>} : memref<512xf32, #tpu.memory_space<vmem>>, vector<16xf32>,
    tpu.vector_store %arg15[%swap3A_68], %broadcast_in_dim3A_46 {strides = array<i32>} : memref<512xf32, #tpu.memory_space<vmem>>, vector<16xf32>,
    %swap3A_70 = arith.constant 192 : index
    %swap3A_71 = tpu.vector_load %arg15[%swap3A_70] {strides = array<i32>} : memref<512xf32, #tpu.memory_space<vmem>>, vector<16xf32>,
    tpu.vector_store %arg15[%swap3A_70], %broadcast_in_dim3A_46 {strides = array<i32>} : memref<512xf32, #tpu.memory_space<vmem>>, vector<16xf32>,
    %swap3A_72 = arith.constant 208 : index
    %swap3A_73 = tpu.vector_load %arg15[%swap3A_72] {strides = array<i32>} : memref<512xf32, #tpu.memory_space<vmem>>, vector<16xf32>,
    tpu.vector_store %arg15[%swap3A_72], %broadcast_in_dim3A_46 {strides = array<i32>} : memref<512xf32, #tpu.memory_space<vmem>>, vector<16xf32>,
    %swap3A_74 = arith.constant 224 : index
    %swap3A_75 = tpu.vector_load %arg15[%swap3A_74] {strides = array<i32>} : memref<512xf32, #tpu.memory_space<vmem>>, vector<16xf32>,
    tpu.vector_store %arg15[%swap3A_74], %broadcast_in_dim3A_46 {strides = array<i32>} : memref<512xf32, #tpu.memory_space<vmem>>, vector<16xf32>,
    %swap3A_76 = arith.constant 240 : index
    %swap3A_77 = tpu.vector_load %arg15[%swap3A_76] {strides = array<i32>} : memref<512xf32, #tpu.memory_space<vmem>>, vector<16xf32>,
    tpu.vector_store %arg15[%swap3A_76], %broadcast_in_dim3A_46 {strides = array<i32>} : memref<512xf32, #tpu.memory_space<vmem>>, vector<16xf32>,
    %swap3A_78 = arith.constant 256 : index
    %swap3A_79 = tpu.vector_load %arg15[%swap3A_78] {strides = array<i32>} : memref<512xf32, #tpu.memory_space<vmem>>, vector<16xf32>,
    tpu.vector_store %arg15[%swap3A_78], %broadcast_in_dim3A_46 {strides = array<i32>} : memref<512xf32, #tpu.memory_space<vmem>>, vector<16xf32>,
    %swap3A_80 = arith.constant 272 : index
    %swap3A_81 = tpu.vector_load %arg15[%swap3A_80] {strides = array<i32>} : memref<512xf32, #tpu.memory_space<vmem>>, vector<16xf32>,
    tpu.vector_store %arg15[%swap3A_80], %broadcast_in_dim3A_46 {strides = array<i32>} : memref<512xf32, #tpu.memory_space<vmem>>, vector<16xf32>,
    %swap3A_82 = arith.constant 288 : index
    %swap3A_83 = tpu.vector_load %arg15[%swap3A_82] {strides = array<i32>} : memref<512xf32, #tpu.memory_space<vmem>>, vector<16xf32>,
    tpu.vector_store %arg15[%swap3A_82], %broadcast_in_dim3A_46 {strides = array<i32>} : memref<512xf32, #tpu.memory_space<vmem>>, vector<16xf32>,
    %swap3A_84 = arith.constant 304 : index
    %swap3A_85 = tpu.vector_load %arg15[%swap3A_84] {strides = array<i32>} : memref<512xf32, #tpu.memory_space<vmem>>, vector<16xf32>,
    tpu.vector_store %arg15[%swap3A_84], %broadcast_in_dim3A_46 {strides = array<i32>} : memref<512xf32, #tpu.memory_space<vmem>>, vector<16xf32>,
    %swap3A_86 = arith.constant 320 : index
    %swap3A_87 = tpu.vector_load %arg15[%swap3A_86] {strides = array<i32>} : memref<512xf32, #tpu.memory_space<vmem>>, vector<16xf32>,
    tpu.vector_store %arg15[%swap3A_86], %broadcast_in_dim3A_46 {strides = array<i32>} : memref<512xf32, #tpu.memory_space<vmem>>, vector<16xf32>,
    %swap3A_88 = arith.constant 336 : index
    %swap3A_89 = tpu.vector_load %arg15[%swap3A_88] {strides = array<i32>} : memref<512xf32, #tpu.memory_space<vmem>>, vector<16xf32>,
    tpu.vector_store %arg15[%swap3A_88], %broadcast_in_dim3A_46 {strides = array<i32>} : memref<512xf32, #tpu.memory_space<vmem>>, vector<16xf32>,
    %swap3A_90 = arith.constant 352 : index
    %swap3A_91 = tpu.vector_load %arg15[%swap3A_90] {strides = array<i32>} : memref<512xf32, #tpu.memory_space<vmem>>, vector<16xf32>,
    tpu.vector_store %arg15[%swap3A_90], %broadcast_in_dim3A_46 {strides = array<i32>} : memref<512xf32, #tpu.memory_space<vmem>>, vector<16xf32>,
    %swap3A_92 = arith.constant 368 : index
    %swap3A_93 = tpu.vector_load %arg15[%swap3A_92] {strides = array<i32>} : memref<512xf32, #tpu.memory_space<vmem>>, vector<16xf32>,
    tpu.vector_store %arg15[%swap3A_92], %broadcast_in_dim3A_46 {strides = array<i32>} : memref<512xf32, #tpu.memory_space<vmem>>, vector<16xf32>,
    %swap3A_94 = arith.constant 384 : index
    %swap3A_95 = tpu.vector_load %arg15[%swap3A_94] {strides = array<i32>} : memref<512xf32, #tpu.memory_space<vmem>>, vector<16xf32>,
    tpu.vector_store %arg15[%swap3A_94], %broadcast_in_dim3A_46 {strides = array<i32>} : memref<512xf32, #tpu.memory_space<vmem>>, vector<16xf32>,
    %swap3A_96 = arith.constant 400 : index
    %swap3A_97 = tpu.vector_load %arg15[%swap3A_96] {strides = array<i32>} : memref<512xf32, #tpu.memory_space<vmem>>, vector<16xf32>,
    tpu.vector_store %arg15[%swap3A_96], %broadcast_in_dim3A_46 {strides = array<i32>} : memref<512xf32, #tpu.memory_space<vmem>>, vector<16xf32>,
    %swap3A_98 = arith.constant 416 : index
    %swap3A_99 = tpu.vector_load %arg15[%swap3A_98] {strides = array<i32>} : memref<512xf32, #tpu.memory_space<vmem>>, vector<16xf32>,
    tpu.vector_store %arg15[%swap3A_98], %broadcast_in_dim3A_46 {strides = array<i32>} : memref<512xf32, #tpu.memory_space<vmem>>, vector<16xf32>,
    %swap3A_100 = arith.constant 432 : index
    %swap3A_101 = tpu.vector_load %arg15[%swap3A_100] {strides = array<i32>} : memref<512xf32, #tpu.memory_space<vmem>>, vector<16xf32>,
    tpu.vector_store %arg15[%swap3A_100], %broadcast_in_dim3A_46 {strides = array<i32>} : memref<512xf32, #tpu.memory_space<vmem>>, vector<16xf32>,
    %swap3A_102 = arith.constant 448 : index
    %swap3A_103 = tpu.vector_load %arg15[%swap3A_102] {strides = array<i32>} : memref<512xf32, #tpu.memory_space<vmem>>, vector<16xf32>,
    tpu.vector_store %arg15[%swap3A_102], %broadcast_in_dim3A_46 {strides = array<i32>} : memref<512xf32, #tpu.memory_space<vmem>>, vector<16xf32>,
    %swap3A_104 = arith.constant 464 : index
    %swap3A_105 = tpu.vector_load %arg15[%swap3A_104] {strides = array<i32>} : memref<512xf32, #tpu.memory_space<vmem>>, vector<16xf32>,
    tpu.vector_store %arg15[%swap3A_104], %broadcast_in_dim3A_46 {strides = array<i32>} : memref<512xf32, #tpu.memory_space<vmem>>, vector<16xf32>,
    %swap3A_106 = arith.constant 480 : index
    %swap3A_107 = tpu.vector_load %arg15[%swap3A_106] {strides = array<i32>} : memref<512xf32, #tpu.memory_space<vmem>>, vector<16xf32>,
    tpu.vector_store %arg15[%swap3A_106], %broadcast_in_dim3A_46 {strides = array<i32>} : memref<512xf32, #tpu.memory_space<vmem>>, vector<16xf32>,
    %swap3A_108 = arith.constant 496 : index
    %swap3A_109 = tpu.vector_load %arg15[%swap3A_108] {strides = array<i32>} : memref<512xf32, #tpu.memory_space<vmem>>, vector<16xf32>,
    tpu.vector_store %arg15[%swap3A_108], %broadcast_in_dim3A_46 {strides = array<i32>} : memref<512xf32, #tpu.memory_space<vmem>>, vector<16xf32>,
    %iota3A = tpu.iota {dimensions = array<i32: 0>} : vector<16xi32>
    %broadcast_in_dim3A_110 = arith.constant 1.000000e+00 : f32
    %broadcast_in_dim3A_111 = vector.broadcast %broadcast_in_dim3A_110 : f32 to vector<16xf32>
    %broadcast_in_dim3A_112 = arith.constant 1.00024414 : f32
    %broadcast_in_dim3A_113 = vector.broadcast %broadcast_in_dim3A_112 : f32 to vector<16xf32>
    %broadcast_in_dim3A_114 = arith.constant 0 : i32
    %broadcast_in_dim3A_115 = vector.broadcast %broadcast_in_dim3A_114 : i32 to vector<16xi32>
    %broadcast_in_dim3A_116 = arith.constant 14 : i32
    %broadcast_in_dim3A_117 = vector.broadcast %broadcast_in_dim3A_116 : i32 to vector<16xi32>
    %broadcast_in_dim3A_118 = arith.constant 240 : i32
    %broadcast_in_dim3A_119 = vector.broadcast %broadcast_in_dim3A_118 : i32 to vector<16xi32>
    %broadcast_in_dim3A_120 = arith.constant 1.500000e+01 : f32
    %broadcast_in_dim3A_121 = vector.broadcast %broadcast_in_dim3A_120 : f32 to vector<16xf32>
    %dma_wait3A = arith.constant 0 : i32
    %dma_wait3A_122 = tpu.memref_slice %arg6[%dma_wait3A] : memref<7824xf32, #tpu.memory_space<vmem>> -> memref<7824xf32, #tpu.memory_space<vmem>>
    %dma_wait3A_123 = tpu.memref_slice %arg2[%add3A_4] : memref<1000000xf32, #tpu.memory_space<hbm>> -> memref<7824xf32, #tpu.memory_space<hbm>>
    %dma_wait3A_124 = arith.constant 0 : i32
    %dma_wait3A_125 = tpu.memref_slice %arg6[%dma_wait3A_124] : memref<7824xf32, #tpu.memory_space<vmem>> -> memref<7824xf32, #tpu.memory_space<vmem>>
    %dma_wait3A_126 = tpu.memref_slice %arg2[%add3A_4] : memref<1000000xf32, #tpu.memory_space<hbm>> -> memref<7824xf32, #tpu.memory_space<hbm>>
    tpu.wait_dma2 semaphore(%arg16 : memref<!tpu.dma_semaphore, #tpu.memory_space<semaphore_mem>>) src(%dma_wait3A_126 : memref<7824xf32, #tpu.memory_space<hbm>>) dst(%dma_wait3A_125 : memref<7824xf32, #tpu.memory_space<vmem>>)
    %dma_wait3A_127 = arith.constant 0 : i32
    %dma_wait3A_128 = tpu.memref_slice %arg7[%dma_wait3A_127] : memref<7824xi32, #tpu.memory_space<vmem>> -> memref<7824xi32, #tpu.memory_space<vmem>>
    %dma_wait3A_129 = tpu.memref_slice %arg3[%add3A_4] : memref<1000000xi32, #tpu.memory_space<hbm>> -> memref<7824xi32, #tpu.memory_space<hbm>>
    %dma_wait3A_130 = arith.constant 0 : i32
    %dma_wait3A_131 = tpu.memref_slice %arg7[%dma_wait3A_130] : memref<7824xi32, #tpu.memory_space<vmem>> -> memref<7824xi32, #tpu.memory_space<vmem>>
    %dma_wait3A_132 = tpu.memref_slice %arg3[%add3A_4] : memref<1000000xi32, #tpu.memory_space<hbm>> -> memref<7824xi32, #tpu.memory_space<hbm>>
    tpu.wait_dma2 semaphore(%arg16 : memref<!tpu.dma_semaphore, #tpu.memory_space<semaphore_mem>>) src(%dma_wait3A_132 : memref<7824xi32, #tpu.memory_space<hbm>>) dst(%dma_wait3A_131 : memref<7824xi32, #tpu.memory_space<vmem>>)
    %dma_wait3A_133 = arith.constant 0 : i32
    %dma_wait3A_134 = tpu.memref_slice %arg8[%dma_wait3A_133] : memref<7824xi32, #tpu.memory_space<vmem>> -> memref<7824xi32, #tpu.memory_space<vmem>>
    %dma_wait3A_135 = tpu.memref_slice %arg4[%add3A_4] : memref<1000000xi32, #tpu.memory_space<hbm>> -> memref<7824xi32, #tpu.memory_space<hbm>>
    %dma_wait3A_136 = arith.constant 0 : i32
    %dma_wait3A_137 = tpu.memref_slice %arg8[%dma_wait3A_136] : memref<7824xi32, #tpu.memory_space<vmem>> -> memref<7824xi32, #tpu.memory_space<vmem>>
    %dma_wait3A_138 = tpu.memref_slice %arg4[%add3A_4] : memref<1000000xi32, #tpu.memory_space<hbm>> -> memref<7824xi32, #tpu.memory_space<hbm>>
    tpu.wait_dma2 semaphore(%arg16 : memref<!tpu.dma_semaphore, #tpu.memory_space<semaphore_mem>>) src(%dma_wait3A_138 : memref<7824xi32, #tpu.memory_space<hbm>>) dst(%dma_wait3A_137 : memref<7824xi32, #tpu.memory_space<vmem>>)
    %add3A_139 = arith.constant 7824 : i32
    %add3A_140 = arith.addi %mul3A_2, %add3A_139 : i32
    %dma_start3A_141 = arith.constant 0 : i32
    %dma_start3A_142 = tpu.memref_slice %arg9[%dma_start3A_141] : memref<7824xf32, #tpu.memory_space<vmem>> -> memref<7808xf32, #tpu.memory_space<vmem>>
    %dma_start3A_143 = tpu.memref_slice %arg2[%add3A_140] : memref<1000000xf32, #tpu.memory_space<hbm>> -> memref<7808xf32, #tpu.memory_space<hbm>>
    %dma_start3A_144 = arith.constant 0 : i32
    %dma_start3A_145 = tpu.memref_slice %arg9[%dma_start3A_144] : memref<7824xf32, #tpu.memory_space<vmem>> -> memref<7808xf32, #tpu.memory_space<vmem>>
    %dma_start3A_146 = tpu.memref_slice %arg2[%add3A_140] : memref<1000000xf32, #tpu.memory_space<hbm>> -> memref<7808xf32, #tpu.memory_space<hbm>>
    tpu.enqueue_dma source(%dma_start3A_146 : memref<7808xf32, #tpu.memory_space<hbm>>) target(%dma_start3A_145 : memref<7808xf32, #tpu.memory_space<vmem>>) target_semaphore(%arg17 : memref<!tpu.dma_semaphore, #tpu.memory_space<semaphore_mem>>)
    %dma_start3A_147 = arith.constant 0 : i32
    %dma_start3A_148 = tpu.memref_slice %arg10[%dma_start3A_147] : memref<7824xi32, #tpu.memory_space<vmem>> -> memref<7808xi32, #tpu.memory_space<vmem>>
    %dma_start3A_149 = tpu.memref_slice %arg3[%add3A_140] : memref<1000000xi32, #tpu.memory_space<hbm>> -> memref<7808xi32, #tpu.memory_space<hbm>>
    %dma_start3A_150 = arith.constant 0 : i32
    %dma_start3A_151 = tpu.memref_slice %arg10[%dma_start3A_150] : memref<7824xi32, #tpu.memory_space<vmem>> -> memref<7808xi32, #tpu.memory_space<vmem>>
    %dma_start3A_152 = tpu.memref_slice %arg3[%add3A_140] : memref<1000000xi32, #tpu.memory_space<hbm>> -> memref<7808xi32, #tpu.memory_space<hbm>>
    tpu.enqueue_dma source(%dma_start3A_152 : memref<7808xi32, #tpu.memory_space<hbm>>) target(%dma_start3A_151 : memref<7808xi32, #tpu.memory_space<vmem>>) target_semaphore(%arg17 : memref<!tpu.dma_semaphore, #tpu.memory_space<semaphore_mem>>)
    %dma_start3A_153 = arith.constant 0 : i32
    %dma_start3A_154 = tpu.memref_slice %arg11[%dma_start3A_153] : memref<7824xi32, #tpu.memory_space<vmem>> -> memref<7808xi32, #tpu.memory_space<vmem>>
    %dma_start3A_155 = tpu.memref_slice %arg4[%add3A_140] : memref<1000000xi32, #tpu.memory_space<hbm>> -> memref<7808xi32, #tpu.memory_space<hbm>>
    %dma_start3A_156 = arith.constant 0 : i32
    %dma_start3A_157 = tpu.memref_slice %arg11[%dma_start3A_156] : memref<7824xi32, #tpu.memory_space<vmem>> -> memref<7808xi32, #tpu.memory_space<vmem>>
    %dma_start3A_158 = tpu.memref_slice %arg4[%add3A_140] : memref<1000000xi32, #tpu.memory_space<hbm>> -> memref<7808xi32, #tpu.memory_space<hbm>>
    tpu.enqueue_dma source(%dma_start3A_158 : memref<7808xi32, #tpu.memory_space<hbm>>) target(%dma_start3A_157 : memref<7808xi32, #tpu.memory_space<vmem>>) target_semaphore(%arg17 : memref<!tpu.dma_semaphore, #tpu.memory_space<semaphore_mem>>)
    %parallel_loop3A = arith.constant 0 : i32
    %parallel_loop3A_159 = arith.constant 7824 : i32
    %parallel_loop3A_160 = arith.constant 16 : i32
    scf.for %parallel_loop3A_292 = %parallel_loop3A to %parallel_loop3A_159 step %parallel_loop3A_160  : i32 {
      %parallel_loop3A_293 = arith.index_cast %parallel_loop3A_292 : i32 to index
      %parallel_loop3A_294 = tpu.vector_load %arg6[%parallel_loop3A_293] {strides = array<i32>} : memref<7824xf32, #tpu.memory_space<vmem>>, vector<16xf32>,
      %parallel_loop3A_295 = arith.index_cast %parallel_loop3A_292 : i32 to index
      %parallel_loop3A_296 = tpu.vector_load %arg7[%parallel_loop3A_295] {strides = array<i32>} : memref<7824xi32, #tpu.memory_space<vmem>>, vector<16xi32>,
      %parallel_loop3A_297 = arith.index_cast %parallel_loop3A_292 : i32 to index
      %parallel_loop3A_298 = tpu.vector_load %arg8[%parallel_loop3A_297] {strides = array<i32>} : memref<7824xi32, #tpu.memory_space<vmem>>, vector<16xi32>,
      %parallel_loop3A_299 = arith.cmpi eq, %parallel_loop3A_296, %parallel_loop3A_298 : vector<16xi32>
      %parallel_loop3A_300 = arith.select %parallel_loop3A_299, %broadcast_in_dim3A_113, %broadcast_in_dim3A_111 : vector<16xi1>, vector<16xf32>
      %parallel_loop3A_301 = arith.mulf %parallel_loop3A_294, %broadcast_in_dim3A_121 : vector<16xf32>
      %parallel_loop3A_302 = arith.fptosi %parallel_loop3A_301 : vector<16xf32> to vector<16xi32>
      %parallel_loop3A_303 = arith.cmpf ogt, %parallel_loop3A_294, %broadcast_in_dim3A_46 : vector<16xf32>
      %parallel_loop3A_304 = arith.maxsi %parallel_loop3A_302, %broadcast_in_dim3A_115 : vector<16xi32>
      %parallel_loop3A_305 = arith.minsi %parallel_loop3A_304, %broadcast_in_dim3A_117 : vector<16xi32>
      %parallel_loop3A_306 = arith.constant 16 : i32
      %parallel_loop3A_307 = vector.broadcast %parallel_loop3A_306 : i32 to vector<16xi32>
      %parallel_loop3A_308 = arith.muli %parallel_loop3A_305, %parallel_loop3A_307 : vector<16xi32>
      %parallel_loop3A_309 = arith.addi %parallel_loop3A_308, %iota3A : vector<16xi32>
      tpu.vector_store_idx %arg15[%parallel_loop3A_309], %parallel_loop3A_300 masked %parallel_loop3A_303 {add = true} : memref<512xf32, #tpu.memory_space<vmem>>[vector<16xi32>], vector<16xf32>, vector<16xi1>
      %parallel_loop3A_310 = arith.addi %parallel_loop3A_309, %broadcast_in_dim3A_119 : vector<16xi32>
      tpu.vector_store_idx %arg15[%parallel_loop3A_310], %parallel_loop3A_294 masked %parallel_loop3A_303 {add = true} : memref<512xf32, #tpu.memory_space<vmem>>[vector<16xi32>], vector<16xf32>, vector<16xi1>
    } {sc.loop_unroll_factor = 8 : i64, sc.parallel_access}
    %dma_wait3A_161 = arith.constant 0 : i32
    %dma_wait3A_162 = tpu.memref_slice %arg9[%dma_wait3A_161] : memref<7824xf32, #tpu.memory_space<vmem>> -> memref<7808xf32, #tpu.memory_space<vmem>>
    %dma_wait3A_163 = tpu.memref_slice %arg2[%add3A_140] : memref<1000000xf32, #tpu.memory_space<hbm>> -> memref<7808xf32, #tpu.memory_space<hbm>>
    %dma_wait3A_164 = arith.constant 0 : i32
    %dma_wait3A_165 = tpu.memref_slice %arg9[%dma_wait3A_164] : memref<7824xf32, #tpu.memory_space<vmem>> -> memref<7808xf32, #tpu.memory_space<vmem>>
    %dma_wait3A_166 = tpu.memref_slice %arg2[%add3A_140] : memref<1000000xf32, #tpu.memory_space<hbm>> -> memref<7808xf32, #tpu.memory_space<hbm>>
    tpu.wait_dma2 semaphore(%arg17 : memref<!tpu.dma_semaphore, #tpu.memory_space<semaphore_mem>>) src(%dma_wait3A_166 : memref<7808xf32, #tpu.memory_space<hbm>>) dst(%dma_wait3A_165 : memref<7808xf32, #tpu.memory_space<vmem>>)
    %dma_wait3A_167 = arith.constant 0 : i32
    %dma_wait3A_168 = tpu.memref_slice %arg10[%dma_wait3A_167] : memref<7824xi32, #tpu.memory_space<vmem>> -> memref<7808xi32, #tpu.memory_space<vmem>>
    %dma_wait3A_169 = tpu.memref_slice %arg3[%add3A_140] : memref<1000000xi32, #tpu.memory_space<hbm>> -> memref<7808xi32, #tpu.memory_space<hbm>>
    %dma_wait3A_170 = arith.constant 0 : i32
    %dma_wait3A_171 = tpu.memref_slice %arg10[%dma_wait3A_170] : memref<7824xi32, #tpu.memory_space<vmem>> -> memref<7808xi32, #tpu.memory_space<vmem>>
    %dma_wait3A_172 = tpu.memref_slice %arg3[%add3A_140] : memref<1000000xi32, #tpu.memory_space<hbm>> -> memref<7808xi32, #tpu.memory_space<hbm>>
    tpu.wait_dma2 semaphore(%arg17 : memref<!tpu.dma_semaphore, #tpu.memory_space<semaphore_mem>>) src(%dma_wait3A_172 : memref<7808xi32, #tpu.memory_space<hbm>>) dst(%dma_wait3A_171 : memref<7808xi32, #tpu.memory_space<vmem>>)
    %dma_wait3A_173 = arith.constant 0 : i32
    %dma_wait3A_174 = tpu.memref_slice %arg11[%dma_wait3A_173] : memref<7824xi32, #tpu.memory_space<vmem>> -> memref<7808xi32, #tpu.memory_space<vmem>>
    %dma_wait3A_175 = tpu.memref_slice %arg4[%add3A_140] : memref<1000000xi32, #tpu.memory_space<hbm>> -> memref<7808xi32, #tpu.memory_space<hbm>>
    %dma_wait3A_176 = arith.constant 0 : i32
    %dma_wait3A_177 = tpu.memref_slice %arg11[%dma_wait3A_176] : memref<7824xi32, #tpu.memory_space<vmem>> -> memref<7808xi32, #tpu.memory_space<vmem>>
    %dma_wait3A_178 = tpu.memref_slice %arg4[%add3A_140] : memref<1000000xi32, #tpu.memory_space<hbm>> -> memref<7808xi32, #tpu.memory_space<hbm>>
    tpu.wait_dma2 semaphore(%arg17 : memref<!tpu.dma_semaphore, #tpu.memory_space<semaphore_mem>>) src(%dma_wait3A_178 : memref<7808xi32, #tpu.memory_space<hbm>>) dst(%dma_wait3A_177 : memref<7808xi32, #tpu.memory_space<vmem>>)
    %add3A_179 = arith.constant 15632 : i32
    %add3A_180 = arith.addi %mul3A_2, %add3A_179 : i32
    %dma_start3A_181 = arith.constant 0 : i32
    %dma_start3A_182 = tpu.memref_slice %arg6[%dma_start3A_181] : memref<7824xf32, #tpu.memory_space<vmem>> -> memref<7808xf32, #tpu.memory_space<vmem>>
    %dma_start3A_183 = tpu.memref_slice %arg2[%add3A_180] : memref<1000000xf32, #tpu.memory_space<hbm>> -> memref<7808xf32, #tpu.memory_space<hbm>>
    %dma_start3A_184 = arith.constant 0 : i32
    %dma_start3A_185 = tpu.memref_slice %arg6[%dma_start3A_184] : memref<7824xf32, #tpu.memory_space<vmem>> -> memref<7808xf32, #tpu.memory_space<vmem>>
    %dma_start3A_186 = tpu.memref_slice %arg2[%add3A_180] : memref<1000000xf32, #tpu.memory_space<hbm>> -> memref<7808xf32, #tpu.memory_space<hbm>>
    tpu.enqueue_dma source(%dma_start3A_186 : memref<7808xf32, #tpu.memory_space<hbm>>) target(%dma_start3A_185 : memref<7808xf32, #tpu.memory_space<vmem>>) target_semaphore(%arg16 : memref<!tpu.dma_semaphore, #tpu.memory_space<semaphore_mem>>)
    %dma_start3A_187 = arith.constant 0 : i32
    %dma_start3A_188 = tpu.memref_slice %arg7[%dma_start3A_187] : memref<7824xi32, #tpu.memory_space<vmem>> -> memref<7808xi32, #tpu.memory_space<vmem>>
    %dma_start3A_189 = tpu.memref_slice %arg3[%add3A_180] : memref<1000000xi32, #tpu.memory_space<hbm>> -> memref<7808xi32, #tpu.memory_space<hbm>>
    %dma_start3A_190 = arith.constant 0 : i32
    %dma_start3A_191 = tpu.memref_slice %arg7[%dma_start3A_190] : memref<7824xi32, #tpu.memory_space<vmem>> -> memref<7808xi32, #tpu.memory_space<vmem>>
    %dma_start3A_192 = tpu.memref_slice %arg3[%add3A_180] : memref<1000000xi32, #tpu.memory_space<hbm>> -> memref<7808xi32, #tpu.memory_space<hbm>>
    tpu.enqueue_dma source(%dma_start3A_192 : memref<7808xi32, #tpu.memory_space<hbm>>) target(%dma_start3A_191 : memref<7808xi32, #tpu.memory_space<vmem>>) target_semaphore(%arg16 : memref<!tpu.dma_semaphore, #tpu.memory_space<semaphore_mem>>)
    %dma_start3A_193 = arith.constant 0 : i32
    %dma_start3A_194 = tpu.memref_slice %arg8[%dma_start3A_193] : memref<7824xi32, #tpu.memory_space<vmem>> -> memref<7808xi32, #tpu.memory_space<vmem>>
    %dma_start3A_195 = tpu.memref_slice %arg4[%add3A_180] : memref<1000000xi32, #tpu.memory_space<hbm>> -> memref<7808xi32, #tpu.memory_space<hbm>>
    %dma_start3A_196 = arith.constant 0 : i32
    %dma_start3A_197 = tpu.memref_slice %arg8[%dma_start3A_196] : memref<7824xi32, #tpu.memory_space<vmem>> -> memref<7808xi32, #tpu.memory_space<vmem>>
    %dma_start3A_198 = tpu.memref_slice %arg4[%add3A_180] : memref<1000000xi32, #tpu.memory_space<hbm>> -> memref<7808xi32, #tpu.memory_space<hbm>>
    tpu.enqueue_dma source(%dma_start3A_198 : memref<7808xi32, #tpu.memory_space<hbm>>) target(%dma_start3A_197 : memref<7808xi32, #tpu.memory_space<vmem>>) target_semaphore(%arg16 : memref<!tpu.dma_semaphore, #tpu.memory_space<semaphore_mem>>)
    %parallel_loop3A_199 = arith.constant 0 : i32
    %parallel_loop3A_200 = arith.constant 7808 : i32
    %parallel_loop3A_201 = arith.constant 16 : i32
    scf.for %parallel_loop3A_292 = %parallel_loop3A_199 to %parallel_loop3A_200 step %parallel_loop3A_201  : i32 {
      %parallel_loop3A_293 = arith.index_cast %parallel_loop3A_292 : i32 to index
      %parallel_loop3A_294 = tpu.vector_load %arg9[%parallel_loop3A_293] {strides = array<i32>} : memref<7824xf32, #tpu.memory_space<vmem>>, vector<16xf32>,
      %parallel_loop3A_295 = arith.index_cast %parallel_loop3A_292 : i32 to index
      %parallel_loop3A_296 = tpu.vector_load %arg10[%parallel_loop3A_295] {strides = array<i32>} : memref<7824xi32, #tpu.memory_space<vmem>>, vector<16xi32>,
      %parallel_loop3A_297 = arith.index_cast %parallel_loop3A_292 : i32 to index
      %parallel_loop3A_298 = tpu.vector_load %arg11[%parallel_loop3A_297] {strides = array<i32>} : memref<7824xi32, #tpu.memory_space<vmem>>, vector<16xi32>,
      %parallel_loop3A_299 = arith.cmpi eq, %parallel_loop3A_296, %parallel_loop3A_298 : vector<16xi32>
      %parallel_loop3A_300 = arith.select %parallel_loop3A_299, %broadcast_in_dim3A_113, %broadcast_in_dim3A_111 : vector<16xi1>, vector<16xf32>
      %parallel_loop3A_301 = arith.mulf %parallel_loop3A_294, %broadcast_in_dim3A_121 : vector<16xf32>
      %parallel_loop3A_302 = arith.fptosi %parallel_loop3A_301 : vector<16xf32> to vector<16xi32>
      %parallel_loop3A_303 = arith.cmpf ogt, %parallel_loop3A_294, %broadcast_in_dim3A_46 : vector<16xf32>
      %parallel_loop3A_304 = arith.maxsi %parallel_loop3A_302, %broadcast_in_dim3A_115 : vector<16xi32>
      %parallel_loop3A_305 = arith.minsi %parallel_loop3A_304, %broadcast_in_dim3A_117 : vector<16xi32>
      %parallel_loop3A_306 = arith.constant 16 : i32
      %parallel_loop3A_307 = vector.broadcast %parallel_loop3A_306 : i32 to vector<16xi32>
      %parallel_loop3A_308 = arith.muli %parallel_loop3A_305, %parallel_loop3A_307 : vector<16xi32>
      %parallel_loop3A_309 = arith.addi %parallel_loop3A_308, %iota3A : vector<16xi32>
      tpu.vector_store_idx %arg15[%parallel_loop3A_309], %parallel_loop3A_300 masked %parallel_loop3A_303 {add = true} : memref<512xf32, #tpu.memory_space<vmem>>[vector<16xi32>], vector<16xf32>, vector<16xi1>
      %parallel_loop3A_310 = arith.addi %parallel_loop3A_309, %broadcast_in_dim3A_119 : vector<16xi32>
      tpu.vector_store_idx %arg15[%parallel_loop3A_310], %parallel_loop3A_294 masked %parallel_loop3A_303 {add = true} : memref<512xf32, #tpu.memory_space<vmem>>[vector<16xi32>], vector<16xf32>, vector<16xi1>
    } {sc.loop_unroll_factor = 8 : i64, sc.parallel_access}
    %dma_wait3A_202 = arith.constant 0 : i32
    %dma_wait3A_203 = tpu.memref_slice %arg6[%dma_wait3A_202] : memref<7824xf32, #tpu.memory_space<vmem>> -> memref<7808xf32, #tpu.memory_space<vmem>>
    %dma_wait3A_204 = tpu.memref_slice %arg2[%add3A_180] : memref<1000000xf32, #tpu.memory_space<hbm>> -> memref<7808xf32, #tpu.memory_space<hbm>>
    %dma_wait3A_205 = arith.constant 0 : i32
    %dma_wait3A_206 = tpu.memref_slice %arg6[%dma_wait3A_205] : memref<7824xf32, #tpu.memory_space<vmem>> -> memref<7808xf32, #tpu.memory_space<vmem>>
    %dma_wait3A_207 = tpu.memref_slice %arg2[%add3A_180] : memref<1000000xf32, #tpu.memory_space<hbm>> -> memref<7808xf32, #tpu.memory_space<hbm>>
    tpu.wait_dma2 semaphore(%arg16 : memref<!tpu.dma_semaphore, #tpu.memory_space<semaphore_mem>>) src(%dma_wait3A_207 : memref<7808xf32, #tpu.memory_space<hbm>>) dst(%dma_wait3A_206 : memref<7808xf32, #tpu.memory_space<vmem>>)
    %dma_wait3A_208 = arith.constant 0 : i32
    %dma_wait3A_209 = tpu.memref_slice %arg7[%dma_wait3A_208] : memref<7824xi32, #tpu.memory_space<vmem>> -> memref<7808xi32, #tpu.memory_space<vmem>>
    %dma_wait3A_210 = tpu.memref_slice %arg3[%add3A_180] : memref<1000000xi32, #tpu.memory_space<hbm>> -> memref<7808xi32, #tpu.memory_space<hbm>>
    %dma_wait3A_211 = arith.constant 0 : i32
    %dma_wait3A_212 = tpu.memref_slice %arg7[%dma_wait3A_211] : memref<7824xi32, #tpu.memory_space<vmem>> -> memref<7808xi32, #tpu.memory_space<vmem>>
    %dma_wait3A_213 = tpu.memref_slice %arg3[%add3A_180] : memref<1000000xi32, #tpu.memory_space<hbm>> -> memref<7808xi32, #tpu.memory_space<hbm>>
    tpu.wait_dma2 semaphore(%arg16 : memref<!tpu.dma_semaphore, #tpu.memory_space<semaphore_mem>>) src(%dma_wait3A_213 : memref<7808xi32, #tpu.memory_space<hbm>>) dst(%dma_wait3A_212 : memref<7808xi32, #tpu.memory_space<vmem>>)
    %dma_wait3A_214 = arith.constant 0 : i32
    %dma_wait3A_215 = tpu.memref_slice %arg8[%dma_wait3A_214] : memref<7824xi32, #tpu.memory_space<vmem>> -> memref<7808xi32, #tpu.memory_space<vmem>>
    %dma_wait3A_216 = tpu.memref_slice %arg4[%add3A_180] : memref<1000000xi32, #tpu.memory_space<hbm>> -> memref<7808xi32, #tpu.memory_space<hbm>>
    %dma_wait3A_217 = arith.constant 0 : i32
    %dma_wait3A_218 = tpu.memref_slice %arg8[%dma_wait3A_217] : memref<7824xi32, #tpu.memory_space<vmem>> -> memref<7808xi32, #tpu.memory_space<vmem>>
    %dma_wait3A_219 = tpu.memref_slice %arg4[%add3A_180] : memref<1000000xi32, #tpu.memory_space<hbm>> -> memref<7808xi32, #tpu.memory_space<hbm>>
    tpu.wait_dma2 semaphore(%arg16 : memref<!tpu.dma_semaphore, #tpu.memory_space<semaphore_mem>>) src(%dma_wait3A_219 : memref<7808xi32, #tpu.memory_space<hbm>>) dst(%dma_wait3A_218 : memref<7808xi32, #tpu.memory_space<vmem>>)
    %add3A_220 = arith.constant 23440 : i32
    %add3A_221 = arith.addi %mul3A_2, %add3A_220 : i32
    %dma_start3A_222 = arith.constant 0 : i32
    %dma_start3A_223 = tpu.memref_slice %arg9[%dma_start3A_222] : memref<7824xf32, #tpu.memory_space<vmem>> -> memref<7808xf32, #tpu.memory_space<vmem>>
    %dma_start3A_224 = tpu.memref_slice %arg2[%add3A_221] : memref<1000000xf32, #tpu.memory_space<hbm>> -> memref<7808xf32, #tpu.memory_space<hbm>>
    %dma_start3A_225 = arith.constant 0 : i32
    %dma_start3A_226 = tpu.memref_slice %arg9[%dma_start3A_225] : memref<7824xf32, #tpu.memory_space<vmem>> -> memref<7808xf32, #tpu.memory_space<vmem>>
    %dma_start3A_227 = tpu.memref_slice %arg2[%add3A_221] : memref<1000000xf32, #tpu.memory_space<hbm>> -> memref<7808xf32, #tpu.memory_space<hbm>>
    tpu.enqueue_dma source(%dma_start3A_227 : memref<7808xf32, #tpu.memory_space<hbm>>) target(%dma_start3A_226 : memref<7808xf32, #tpu.memory_space<vmem>>) target_semaphore(%arg17 : memref<!tpu.dma_semaphore, #tpu.memory_space<semaphore_mem>>)
    %dma_start3A_228 = arith.constant 0 : i32
    %dma_start3A_229 = tpu.memref_slice %arg10[%dma_start3A_228] : memref<7824xi32, #tpu.memory_space<vmem>> -> memref<7808xi32, #tpu.memory_space<vmem>>
    %dma_start3A_230 = tpu.memref_slice %arg3[%add3A_221] : memref<1000000xi32, #tpu.memory_space<hbm>> -> memref<7808xi32, #tpu.memory_space<hbm>>
    %dma_start3A_231 = arith.constant 0 : i32
    %dma_start3A_232 = tpu.memref_slice %arg10[%dma_start3A_231] : memref<7824xi32, #tpu.memory_space<vmem>> -> memref<7808xi32, #tpu.memory_space<vmem>>
    %dma_start3A_233 = tpu.memref_slice %arg3[%add3A_221] : memref<1000000xi32, #tpu.memory_space<hbm>> -> memref<7808xi32, #tpu.memory_space<hbm>>
    tpu.enqueue_dma source(%dma_start3A_233 : memref<7808xi32, #tpu.memory_space<hbm>>) target(%dma_start3A_232 : memref<7808xi32, #tpu.memory_space<vmem>>) target_semaphore(%arg17 : memref<!tpu.dma_semaphore, #tpu.memory_space<semaphore_mem>>)
    %dma_start3A_234 = arith.constant 0 : i32
    %dma_start3A_235 = tpu.memref_slice %arg11[%dma_start3A_234] : memref<7824xi32, #tpu.memory_space<vmem>> -> memref<7808xi32, #tpu.memory_space<vmem>>
    %dma_start3A_236 = tpu.memref_slice %arg4[%add3A_221] : memref<1000000xi32, #tpu.memory_space<hbm>> -> memref<7808xi32, #tpu.memory_space<hbm>>
    %dma_start3A_237 = arith.constant 0 : i32
    %dma_start3A_238 = tpu.memref_slice %arg11[%dma_start3A_237] : memref<7824xi32, #tpu.memory_space<vmem>> -> memref<7808xi32, #tpu.memory_space<vmem>>
    %dma_start3A_239 = tpu.memref_slice %arg4[%add3A_221] : memref<1000000xi32, #tpu.memory_space<hbm>> -> memref<7808xi32, #tpu.memory_space<hbm>>
    tpu.enqueue_dma source(%dma_start3A_239 : memref<7808xi32, #tpu.memory_space<hbm>>) target(%dma_start3A_238 : memref<7808xi32, #tpu.memory_space<vmem>>) target_semaphore(%arg17 : memref<!tpu.dma_semaphore, #tpu.memory_space<semaphore_mem>>)
    %parallel_loop3A_240 = arith.constant 0 : i32
    %parallel_loop3A_241 = arith.constant 7808 : i32
    %parallel_loop3A_242 = arith.constant 16 : i32
    scf.for %parallel_loop3A_292 = %parallel_loop3A_240 to %parallel_loop3A_241 step %parallel_loop3A_242  : i32 {
      %parallel_loop3A_293 = arith.index_cast %parallel_loop3A_292 : i32 to index
      %parallel_loop3A_294 = tpu.vector_load %arg6[%parallel_loop3A_293] {strides = array<i32>} : memref<7824xf32, #tpu.memory_space<vmem>>, vector<16xf32>,
      %parallel_loop3A_295 = arith.index_cast %parallel_loop3A_292 : i32 to index
      %parallel_loop3A_296 = tpu.vector_load %arg7[%parallel_loop3A_295] {strides = array<i32>} : memref<7824xi32, #tpu.memory_space<vmem>>, vector<16xi32>,
      %parallel_loop3A_297 = arith.index_cast %parallel_loop3A_292 : i32 to index
      %parallel_loop3A_298 = tpu.vector_load %arg8[%parallel_loop3A_297] {strides = array<i32>} : memref<7824xi32, #tpu.memory_space<vmem>>, vector<16xi32>,
      %parallel_loop3A_299 = arith.cmpi eq, %parallel_loop3A_296, %parallel_loop3A_298 : vector<16xi32>
      %parallel_loop3A_300 = arith.select %parallel_loop3A_299, %broadcast_in_dim3A_113, %broadcast_in_dim3A_111 : vector<16xi1>, vector<16xf32>
      %parallel_loop3A_301 = arith.mulf %parallel_loop3A_294, %broadcast_in_dim3A_121 : vector<16xf32>
      %parallel_loop3A_302 = arith.fptosi %parallel_loop3A_301 : vector<16xf32> to vector<16xi32>
      %parallel_loop3A_303 = arith.cmpf ogt, %parallel_loop3A_294, %broadcast_in_dim3A_46 : vector<16xf32>
      %parallel_loop3A_304 = arith.maxsi %parallel_loop3A_302, %broadcast_in_dim3A_115 : vector<16xi32>
      %parallel_loop3A_305 = arith.minsi %parallel_loop3A_304, %broadcast_in_dim3A_117 : vector<16xi32>
      %parallel_loop3A_306 = arith.constant 16 : i32
      %parallel_loop3A_307 = vector.broadcast %parallel_loop3A_306 : i32 to vector<16xi32>
      %parallel_loop3A_308 = arith.muli %parallel_loop3A_305, %parallel_loop3A_307 : vector<16xi32>
      %parallel_loop3A_309 = arith.addi %parallel_loop3A_308, %iota3A : vector<16xi32>
      tpu.vector_store_idx %arg15[%parallel_loop3A_309], %parallel_loop3A_300 masked %parallel_loop3A_303 {add = true} : memref<512xf32, #tpu.memory_space<vmem>>[vector<16xi32>], vector<16xf32>, vector<16xi1>
      %parallel_loop3A_310 = arith.addi %parallel_loop3A_309, %broadcast_in_dim3A_119 : vector<16xi32>
      tpu.vector_store_idx %arg15[%parallel_loop3A_310], %parallel_loop3A_294 masked %parallel_loop3A_303 {add = true} : memref<512xf32, #tpu.memory_space<vmem>>[vector<16xi32>], vector<16xf32>, vector<16xi1>
    } {sc.loop_unroll_factor = 8 : i64, sc.parallel_access}
    %dma_wait3A_243 = arith.constant 0 : i32
    %dma_wait3A_244 = tpu.memref_slice %arg9[%dma_wait3A_243] : memref<7824xf32, #tpu.memory_space<vmem>> -> memref<7808xf32, #tpu.memory_space<vmem>>
    %dma_wait3A_245 = tpu.memref_slice %arg2[%add3A_221] : memref<1000000xf32, #tpu.memory_space<hbm>> -> memref<7808xf32, #tpu.memory_space<hbm>>
    %dma_wait3A_246 = arith.constant 0 : i32
    %dma_wait3A_247 = tpu.memref_slice %arg9[%dma_wait3A_246] : memref<7824xf32, #tpu.memory_space<vmem>> -> memref<7808xf32, #tpu.memory_space<vmem>>
    %dma_wait3A_248 = tpu.memref_slice %arg2[%add3A_221] : memref<1000000xf32, #tpu.memory_space<hbm>> -> memref<7808xf32, #tpu.memory_space<hbm>>
    tpu.wait_dma2 semaphore(%arg17 : memref<!tpu.dma_semaphore, #tpu.memory_space<semaphore_mem>>) src(%dma_wait3A_248 : memref<7808xf32, #tpu.memory_space<hbm>>) dst(%dma_wait3A_247 : memref<7808xf32, #tpu.memory_space<vmem>>)
    %dma_wait3A_249 = arith.constant 0 : i32
    %dma_wait3A_250 = tpu.memref_slice %arg10[%dma_wait3A_249] : memref<7824xi32, #tpu.memory_space<vmem>> -> memref<7808xi32, #tpu.memory_space<vmem>>
    %dma_wait3A_251 = tpu.memref_slice %arg3[%add3A_221] : memref<1000000xi32, #tpu.memory_space<hbm>> -> memref<7808xi32, #tpu.memory_space<hbm>>
    %dma_wait3A_252 = arith.constant 0 : i32
    %dma_wait3A_253 = tpu.memref_slice %arg10[%dma_wait3A_252] : memref<7824xi32, #tpu.memory_space<vmem>> -> memref<7808xi32, #tpu.memory_space<vmem>>
    %dma_wait3A_254 = tpu.memref_slice %arg3[%add3A_221] : memref<1000000xi32, #tpu.memory_space<hbm>> -> memref<7808xi32, #tpu.memory_space<hbm>>
    tpu.wait_dma2 semaphore(%arg17 : memref<!tpu.dma_semaphore, #tpu.memory_space<semaphore_mem>>) src(%dma_wait3A_254 : memref<7808xi32, #tpu.memory_space<hbm>>) dst(%dma_wait3A_253 : memref<7808xi32, #tpu.memory_space<vmem>>)
    %dma_wait3A_255 = arith.constant 0 : i32
    %dma_wait3A_256 = tpu.memref_slice %arg11[%dma_wait3A_255] : memref<7824xi32, #tpu.memory_space<vmem>> -> memref<7808xi32, #tpu.memory_space<vmem>>
    %dma_wait3A_257 = tpu.memref_slice %arg4[%add3A_221] : memref<1000000xi32, #tpu.memory_space<hbm>> -> memref<7808xi32, #tpu.memory_space<hbm>>
    %dma_wait3A_258 = arith.constant 0 : i32
    %dma_wait3A_259 = tpu.memref_slice %arg11[%dma_wait3A_258] : memref<7824xi32, #tpu.memory_space<vmem>> -> memref<7808xi32, #tpu.memory_space<vmem>>
    %dma_wait3A_260 = tpu.memref_slice %arg4[%add3A_221] : memref<1000000xi32, #tpu.memory_space<hbm>> -> memref<7808xi32, #tpu.memory_space<hbm>>
    tpu.wait_dma2 semaphore(%arg17 : memref<!tpu.dma_semaphore, #tpu.memory_space<semaphore_mem>>) src(%dma_wait3A_260 : memref<7808xi32, #tpu.memory_space<hbm>>) dst(%dma_wait3A_259 : memref<7808xi32, #tpu.memory_space<vmem>>)
    %parallel_loop3A_261 = arith.constant 0 : i32
    %parallel_loop3A_262 = arith.constant 7808 : i32
    %parallel_loop3A_263 = arith.constant 16 : i32
    scf.for %parallel_loop3A_292 = %parallel_loop3A_261 to %parallel_loop3A_262 step %parallel_loop3A_263  : i32 {
      %parallel_loop3A_293 = arith.index_cast %parallel_loop3A_292 : i32 to index
      %parallel_loop3A_294 = tpu.vector_load %arg9[%parallel_loop3A_293] {strides = array<i32>} : memref<7824xf32, #tpu.memory_space<vmem>>, vector<16xf32>,
      %parallel_loop3A_295 = arith.index_cast %parallel_loop3A_292 : i32 to index
      %parallel_loop3A_296 = tpu.vector_load %arg10[%parallel_loop3A_295] {strides = array<i32>} : memref<7824xi32, #tpu.memory_space<vmem>>, vector<16xi32>,
      %parallel_loop3A_297 = arith.index_cast %parallel_loop3A_292 : i32 to index
      %parallel_loop3A_298 = tpu.vector_load %arg11[%parallel_loop3A_297] {strides = array<i32>} : memref<7824xi32, #tpu.memory_space<vmem>>, vector<16xi32>,
      %parallel_loop3A_299 = arith.cmpi eq, %parallel_loop3A_296, %parallel_loop3A_298 : vector<16xi32>
      %parallel_loop3A_300 = arith.select %parallel_loop3A_299, %broadcast_in_dim3A_113, %broadcast_in_dim3A_111 : vector<16xi1>, vector<16xf32>
      %parallel_loop3A_301 = arith.mulf %parallel_loop3A_294, %broadcast_in_dim3A_121 : vector<16xf32>
      %parallel_loop3A_302 = arith.fptosi %parallel_loop3A_301 : vector<16xf32> to vector<16xi32>
      %parallel_loop3A_303 = arith.cmpf ogt, %parallel_loop3A_294, %broadcast_in_dim3A_46 : vector<16xf32>
      %parallel_loop3A_304 = arith.maxsi %parallel_loop3A_302, %broadcast_in_dim3A_115 : vector<16xi32>
      %parallel_loop3A_305 = arith.minsi %parallel_loop3A_304, %broadcast_in_dim3A_117 : vector<16xi32>
      %parallel_loop3A_306 = arith.constant 16 : i32
      %parallel_loop3A_307 = vector.broadcast %parallel_loop3A_306 : i32 to vector<16xi32>
      %parallel_loop3A_308 = arith.muli %parallel_loop3A_305, %parallel_loop3A_307 : vector<16xi32>
      %parallel_loop3A_309 = arith.addi %parallel_loop3A_308, %iota3A : vector<16xi32>
      tpu.vector_store_idx %arg15[%parallel_loop3A_309], %parallel_loop3A_300 masked %parallel_loop3A_303 {add = true} : memref<512xf32, #tpu.memory_space<vmem>>[vector<16xi32>], vector<16xf32>, vector<16xi1>
      %parallel_loop3A_310 = arith.addi %parallel_loop3A_309, %broadcast_in_dim3A_119 : vector<16xi32>
      tpu.vector_store_idx %arg15[%parallel_loop3A_310], %parallel_loop3A_294 masked %parallel_loop3A_303 {add = true} : memref<512xf32, #tpu.memory_space<vmem>>[vector<16xi32>], vector<16xf32>, vector<16xi1>
    } {sc.loop_unroll_factor = 8 : i64, sc.parallel_access}
    %dma_wait3A_264 = arith.constant 0 : i32
    %dma_wait3A_265 = tpu.memref_slice %arg12[%dma_wait3A_264] : memref<64xf32, #tpu.memory_space<vmem>> -> memref<64xf32, #tpu.memory_space<vmem>>
    %dma_wait3A_266 = arith.constant 999936 : i32
    %dma_wait3A_267 = tpu.memref_slice %arg2[%dma_wait3A_266] : memref<1000000xf32, #tpu.memory_space<hbm>> -> memref<64xf32, #tpu.memory_space<hbm>>
    %dma_wait3A_268 = arith.constant 0 : i32
    %dma_wait3A_269 = tpu.memref_slice %arg12[%dma_wait3A_268] : memref<64xf32, #tpu.memory_space<vmem>> -> memref<64xf32, #tpu.memory_space<vmem>>
    %dma_wait3A_270 = arith.constant 999936 : i32
    %dma_wait3A_271 = tpu.memref_slice %arg2[%dma_wait3A_270] : memref<1000000xf32, #tpu.memory_space<hbm>> -> memref<64xf32, #tpu.memory_space<hbm>>
    tpu.wait_dma2 semaphore(%arg18 : memref<!tpu.dma_semaphore, #tpu.memory_space<semaphore_mem>>) src(%dma_wait3A_271 : memref<64xf32, #tpu.memory_space<hbm>>) dst(%dma_wait3A_269 : memref<64xf32, #tpu.memory_space<vmem>>)
    %dma_wait3A_272 = arith.constant 0 : i32
    %dma_wait3A_273 = tpu.memref_slice %arg13[%dma_wait3A_272] : memref<64xi32, #tpu.memory_space<vmem>> -> memref<64xi32, #tpu.memory_space<vmem>>
    %dma_wait3A_274 = arith.constant 999936 : i32
    %dma_wait3A_275 = tpu.memref_slice %arg3[%dma_wait3A_274] : memref<1000000xi32, #tpu.memory_space<hbm>> -> memref<64xi32, #tpu.memory_space<hbm>>
    %dma_wait3A_276 = arith.constant 0 : i32
    %dma_wait3A_277 = tpu.memref_slice %arg13[%dma_wait3A_276] : memref<64xi32, #tpu.memory_space<vmem>> -> memref<64xi32, #tpu.memory_space<vmem>>
    %dma_wait3A_278 = arith.constant 999936 : i32
    %dma_wait3A_279 = tpu.memref_slice %arg3[%dma_wait3A_278] : memref<1000000xi32, #tpu.memory_space<hbm>> -> memref<64xi32, #tpu.memory_space<hbm>>
    tpu.wait_dma2 semaphore(%arg18 : memref<!tpu.dma_semaphore, #tpu.memory_space<semaphore_mem>>) src(%dma_wait3A_279 : memref<64xi32, #tpu.memory_space<hbm>>) dst(%dma_wait3A_277 : memref<64xi32, #tpu.memory_space<vmem>>)
    %dma_wait3A_280 = arith.constant 0 : i32
    %dma_wait3A_281 = tpu.memref_slice %arg14[%dma_wait3A_280] : memref<64xi32, #tpu.memory_space<vmem>> -> memref<64xi32, #tpu.memory_space<vmem>>
    %dma_wait3A_282 = arith.constant 999936 : i32
    %dma_wait3A_283 = tpu.memref_slice %arg4[%dma_wait3A_282] : memref<1000000xi32, #tpu.memory_space<hbm>> -> memref<64xi32, #tpu.memory_space<hbm>>
    %dma_wait3A_284 = arith.constant 0 : i32
    %dma_wait3A_285 = tpu.memref_slice %arg14[%dma_wait3A_284] : memref<64xi32, #tpu.memory_space<vmem>> -> memref<64xi32, #tpu.memory_space<vmem>>
    %dma_wait3A_286 = arith.constant 999936 : i32
    %dma_wait3A_287 = tpu.memref_slice %arg4[%dma_wait3A_286] : memref<1000000xi32, #tpu.memory_space<hbm>> -> memref<64xi32, #tpu.memory_space<hbm>>
    tpu.wait_dma2 semaphore(%arg18 : memref<!tpu.dma_semaphore, #tpu.memory_space<semaphore_mem>>) src(%dma_wait3A_287 : memref<64xi32, #tpu.memory_space<hbm>>) dst(%dma_wait3A_285 : memref<64xi32, #tpu.memory_space<vmem>>)
    %eq3A = arith.constant 31 : i32
    %eq3A_288 = arith.cmpi eq, %add3A, %eq3A : i32
    %convert_element_type3A = arith.extui %eq3A_288 : i1 to i32
    %cond3A = arith.constant 0 : i32
    %cond3A_289 = arith.cmpi ne, %convert_element_type3A, %cond3A : i32
    scf.if %cond3A_289 {
      %parallel_loop3A_292 = arith.constant 0 : i32
      %parallel_loop3A_293 = arith.constant 64 : i32
      %parallel_loop3A_294 = arith.constant 16 : i32
      scf.for %parallel_loop3A_295 = %parallel_loop3A_292 to %parallel_loop3A_293 step %parallel_loop3A_294  : i32 {
        %parallel_loop3A_296 = arith.index_cast %parallel_loop3A_295 : i32 to index
        %parallel_loop3A_297 = tpu.vector_load %arg12[%parallel_loop3A_296] {strides = array<i32>} : memref<64xf32, #tpu.memory_space<vmem>>, vector<16xf32>,
        %parallel_loop3A_298 = arith.index_cast %parallel_loop3A_295 : i32 to index
        %parallel_loop3A_299 = tpu.vector_load %arg13[%parallel_loop3A_298] {strides = array<i32>} : memref<64xi32, #tpu.memory_space<vmem>>, vector<16xi32>,
        %parallel_loop3A_300 = arith.index_cast %parallel_loop3A_295 : i32 to index
        %parallel_loop3A_301 = tpu.vector_load %arg14[%parallel_loop3A_300] {strides = array<i32>} : memref<64xi32, #tpu.memory_space<vmem>>, vector<16xi32>,
        %parallel_loop3A_302 = arith.cmpi eq, %parallel_loop3A_299, %parallel_loop3A_301 : vector<16xi32>
        %parallel_loop3A_303 = arith.select %parallel_loop3A_302, %broadcast_in_dim3A_113, %broadcast_in_dim3A_111 : vector<16xi1>, vector<16xf32>
        %parallel_loop3A_304 = arith.mulf %parallel_loop3A_297, %broadcast_in_dim3A_121 : vector<16xf32>
        %parallel_loop3A_305 = arith.fptosi %parallel_loop3A_304 : vector<16xf32> to vector<16xi32>
        %parallel_loop3A_306 = arith.cmpf ogt, %parallel_loop3A_297, %broadcast_in_dim3A_46 : vector<16xf32>
        %parallel_loop3A_307 = arith.maxsi %parallel_loop3A_305, %broadcast_in_dim3A_115 : vector<16xi32>
        %parallel_loop3A_308 = arith.minsi %parallel_loop3A_307, %broadcast_in_dim3A_117 : vector<16xi32>
        %parallel_loop3A_309 = arith.constant 16 : i32
        %parallel_loop3A_310 = vector.broadcast %parallel_loop3A_309 : i32 to vector<16xi32>
        %parallel_loop3A_311 = arith.muli %parallel_loop3A_308, %parallel_loop3A_310 : vector<16xi32>
        %parallel_loop3A_312 = arith.addi %parallel_loop3A_311, %iota3A : vector<16xi32>
        tpu.vector_store_idx %arg15[%parallel_loop3A_312], %parallel_loop3A_303 masked %parallel_loop3A_306 {add = true} : memref<512xf32, #tpu.memory_space<vmem>>[vector<16xi32>], vector<16xf32>, vector<16xi1>
        %parallel_loop3A_313 = arith.addi %parallel_loop3A_312, %broadcast_in_dim3A_119 : vector<16xi32>
        tpu.vector_store_idx %arg15[%parallel_loop3A_313], %parallel_loop3A_297 masked %parallel_loop3A_306 {add = true} : memref<512xf32, #tpu.memory_space<vmem>>[vector<16xi32>], vector<16xf32>, vector<16xi1>
      } {sc.loop_unroll_factor = 1 : i64, sc.parallel_access}
    } else {
    }
    %mul3A_290 = arith.constant 512 : i32
    %mul3A_291 = arith.muli %add3A, %mul3A_290 : i32
    "tpu.region"() ({
      %run_scoped3A = tpu.sem_alloc : memref<!tpu.dma_semaphore, #tpu.memory_space<semaphore_mem>>
      %dma_start3A_292 = tpu.memref_slice %arg5[%mul3A_291] : memref<16384xf32, #tpu.memory_space<hbm>> -> memref<512xf32, #tpu.memory_space<hbm>>
      %dma_start3A_293 = tpu.memref_slice %arg5[%mul3A_291] : memref<16384xf32, #tpu.memory_space<hbm>> -> memref<512xf32, #tpu.memory_space<hbm>>
      tpu.enqueue_dma source(%arg15 : memref<512xf32, #tpu.memory_space<vmem>>) target(%dma_start3A_293 : memref<512xf32, #tpu.memory_space<hbm>>) target_semaphore(%run_scoped3A : memref<!tpu.dma_semaphore, #tpu.memory_space<semaphore_mem>>)
      %dma_wait3A_294 = tpu.memref_slice %arg5[%mul3A_291] : memref<16384xf32, #tpu.memory_space<hbm>> -> memref<512xf32, #tpu.memory_space<hbm>>
      %dma_wait3A_295 = tpu.memref_slice %arg5[%mul3A_291] : memref<16384xf32, #tpu.memory_space<hbm>> -> memref<512xf32, #tpu.memory_space<hbm>>
      tpu.wait_dma2 semaphore(%run_scoped3A : memref<!tpu.dma_semaphore, #tpu.memory_space<semaphore_mem>>) src(%arg15 : memref<512xf32, #tpu.memory_space<vmem>>) dst(%dma_wait3A_295 : memref<512xf32, #tpu.memory_space<hbm>>)
      tpu.yield
    }) : () -> ()
    return
  }
}

module attributes {stable_mosaic.version = 14 : i64} {
  func.func @_ece_body(%arg0: memref<128x128xf32, #tpu.memory_space<vmem>>, %arg1: memref<1xf32, #tpu.memory_space<smem>>) attributes {dimension_semantics = [], scalar_prefetch = 0 : i64, scratch_operands = 0 : i64, tpu.core_type = #tpu.core_type<tc>} {
    %get3A = arith.constant 0 : index
    %get3A_0 = arith.constant 0 : index
    %get3A_1 = vector.load %arg0[%get3A, %get3A_0] : memref<128x128xf32, #tpu.memory_space<vmem>>, vector<128x128xf32>
    %iota3A = tpu.iota {dimensions = array<i32: 0>} : vector<128x128xi32>
    %jit3A = arith.constant 4 : i32
    %eq3A = arith.constant 0 : i32
    %eq3A_2 = arith.cmpi eq, %jit3A, %eq3A : i32
    %jit3A_3 = arith.constant 1 : i32
    %select_n3A = arith.select %eq3A_2, %jit3A_3, %jit3A : i32
    %rem3A = vector.broadcast %select_n3A : i32 to vector<128x128xi32>
    %rem3A_4 = arith.remsi %iota3A, %rem3A : vector<128x128xi32>
    %ne3A = arith.constant 0 : i32
    %ne3A_5 = vector.broadcast %ne3A : i32 to vector<128x128xi32>
    %ne3A_6 = arith.cmpi ne, %rem3A_4, %ne3A_5 : vector<128x128xi32>
    %lt3A = arith.constant 0 : i32
    %lt3A_7 = vector.broadcast %lt3A : i32 to vector<128x128xi32>
    %lt3A_8 = arith.cmpi slt, %rem3A_4, %lt3A_7 : vector<128x128xi32>
    %lt3A_9 = arith.constant 0 : i32
    %lt3A_10 = arith.cmpi slt, %select_n3A, %lt3A_9 : i32
    %ne3A_11 = vector.broadcast %lt3A_10 : i1 to vector<128x128xi1>
    %ne3A_12 = vector.broadcast %ne3A_11 : vector<128x128xi1> to vector<128x128xi1>
    %ne3A_13 = arith.xori %lt3A_8, %ne3A_12 : vector<128x128xi1>
    %and3A = arith.andi %ne3A_13, %ne3A_6 : vector<128x128xi1>
    %add3A = vector.broadcast %select_n3A : i32 to vector<128x128xi32>
    %add3A_14 = arith.addi %rem3A_4, %add3A : vector<128x128xi32>
    %select_n3A_15 = arith.select %and3A, %add3A_14, %rem3A_4 : vector<128x128xi1>, vector<128x128xi32>
    %iota3A_16 = tpu.iota {dimensions = array<i32: 1>} : vector<128x128xi32>
    %mul3A = arith.constant 8 : i32
    %mul3A_17 = vector.broadcast %mul3A : i32 to vector<128x128xi32>
    %mul3A_18 = arith.muli %select_n3A_15, %mul3A_17 : vector<128x128xi32>
    %jit3A_19 = arith.constant 16 : i32
    %div3A = vector.broadcast %jit3A_19 : i32 to vector<128x128xi32>
    %div3A_20 = arith.divsi %iota3A_16, %div3A : vector<128x128xi32>
    %sign3A = arith.constant 0 : i32
    %sign3A_21 = vector.broadcast %sign3A : i32 to vector<128x128xi32>
    %sign3A_22 = arith.cmpi sgt, %iota3A_16, %sign3A_21 : vector<128x128xi32>
    %sign3A_23 = arith.extui %sign3A_22 : vector<128x128xi1> to vector<128x128xi32>
    %sign3A_24 = arith.constant 0 : i32
    %sign3A_25 = vector.broadcast %sign3A_24 : i32 to vector<128x128xi32>
    %sign3A_26 = arith.cmpi slt, %iota3A_16, %sign3A_25 : vector<128x128xi32>
    %sign3A_27 = arith.extui %sign3A_26 : vector<128x128xi1> to vector<128x128xi32>
    %sign3A_28 = arith.subi %sign3A_23, %sign3A_27 : vector<128x128xi32>
    %sign3A_29 = arith.constant 0 : i32
    %sign3A_30 = arith.cmpi sgt, %jit3A_19, %sign3A_29 : i32
    %sign3A_31 = arith.extui %sign3A_30 : i1 to i32
    %sign3A_32 = arith.constant 0 : i32
    %sign3A_33 = arith.cmpi slt, %jit3A_19, %sign3A_32 : i32
    %sign3A_34 = arith.extui %sign3A_33 : i1 to i32
    %sign3A_35 = arith.subi %sign3A_31, %sign3A_34 : i32
    %ne3A_36 = vector.broadcast %sign3A_35 : i32 to vector<128x128xi32>
    %ne3A_37 = arith.cmpi ne, %sign3A_28, %ne3A_36 : vector<128x128xi32>
    %rem3A_38 = vector.broadcast %jit3A_19 : i32 to vector<128x128xi32>
    %rem3A_39 = arith.remsi %iota3A_16, %rem3A_38 : vector<128x128xi32>
    %ne3A_40 = arith.constant 0 : i32
    %ne3A_41 = vector.broadcast %ne3A_40 : i32 to vector<128x128xi32>
    %ne3A_42 = arith.cmpi ne, %rem3A_39, %ne3A_41 : vector<128x128xi32>
    %and3A_43 = arith.andi %ne3A_37, %ne3A_42 : vector<128x128xi1>
    %sub3A = arith.constant 1 : i32
    %sub3A_44 = vector.broadcast %sub3A : i32 to vector<128x128xi32>
    %sub3A_45 = arith.subi %div3A_20, %sub3A_44 : vector<128x128xi32>
    %select_n3A_46 = arith.select %and3A_43, %sub3A_45, %div3A_20 : vector<128x128xi1>, vector<128x128xi32>
    %add3A_47 = arith.addi %mul3A_18, %select_n3A_46 : vector<128x128xi32>
    %lt3A_48 = arith.constant 15 : i32
    %lt3A_49 = vector.broadcast %lt3A_48 : i32 to vector<128x128xi32>
    %lt3A_50 = arith.cmpi slt, %add3A_47, %lt3A_49 : vector<128x128xi32>
    %ge3A = arith.constant 15 : i32
    %ge3A_51 = vector.broadcast %ge3A : i32 to vector<128x128xi32>
    %ge3A_52 = arith.cmpi sge, %add3A_47, %ge3A_51 : vector<128x128xi32>
    %lt3A_53 = arith.constant 30 : i32
    %lt3A_54 = vector.broadcast %lt3A_53 : i32 to vector<128x128xi32>
    %lt3A_55 = arith.cmpi slt, %add3A_47, %lt3A_54 : vector<128x128xi32>
    %and3A_56 = arith.andi %ge3A_52, %lt3A_55 : vector<128x128xi1>
    %floor3A = math.floor %get3A_1 : vector<128x128xf32>
    %jit3A_57 = arith.constant 0.000000e+00 : f32
    %broadcast_in_dim3A = vector.broadcast %jit3A_57 : f32 to vector<128x128xf32>
    %select_n3A_58 = arith.select %and3A_56, %get3A_1, %broadcast_in_dim3A : vector<128x128xi1>, vector<128x128xf32>
    %select_n3A_59 = arith.select %lt3A_50, %floor3A, %select_n3A_58 : vector<128x128xi1>, vector<128x128xf32>
    %sub3A_60 = arith.subf %get3A_1, %floor3A : vector<128x128xf32>
    %mul3A_61 = arith.constant 4.096000e+03 : f32
    %mul3A_62 = vector.broadcast %mul3A_61 : f32 to vector<128x128xf32>
    %mul3A_63 = arith.mulf %sub3A_60, %mul3A_62 : vector<128x128xf32>
    %jit3A_64 = arith.constant 0.000000e+00 : f32
    %broadcast_in_dim3A_65 = vector.broadcast %jit3A_64 : f32 to vector<128x128xf32>
    %select_n3A_66 = arith.select %lt3A_50, %mul3A_63, %broadcast_in_dim3A_65 : vector<128x128xi1>, vector<128x128xf32>
    %reshape3A = vector.shape_cast %select_n3A_59 : vector<128x128xf32> to vector<32x4x128xf32>
    %reduce_sum3A = arith.constant dense<0.000000e+00> : vector<4x128xf32>
    %reduce_sum3A_67 = vector.multi_reduction <add>, %reshape3A, %reduce_sum3A [0] : vector<32x4x128xf32> to vector<4x128xf32>
    %reshape3A_68 = vector.shape_cast %reduce_sum3A_67 : vector<4x128xf32> to vector<4x8x16xf32>
    %reduce_sum3A_69 = arith.constant dense<0.000000e+00> : vector<4x8xf32>
    %reduce_sum3A_70 = vector.multi_reduction <add>, %reshape3A_68, %reduce_sum3A_69 [2] : vector<4x8x16xf32> to vector<4x8xf32>
    %reshape3A_71 = vector.shape_cast %reduce_sum3A_70 : vector<4x8xf32> to vector<32x1xf32>
    %slice3A = vector.extract_strided_slice %reshape3A_71 {offsets = [0, 0], sizes = [15, 1], strides = [1, 1]} : vector<32x1xf32> to vector<15x1xf32>
    %slice3A_72 = vector.extract_strided_slice %reshape3A_71 {offsets = [15, 0], sizes = [15, 1], strides = [1, 1]} : vector<32x1xf32> to vector<15x1xf32>
    %reshape3A_73 = vector.shape_cast %select_n3A_66 : vector<128x128xf32> to vector<32x4x128xf32>
    %reduce_sum3A_74 = arith.constant dense<0.000000e+00> : vector<4x128xf32>
    %reduce_sum3A_75 = vector.multi_reduction <add>, %reshape3A_73, %reduce_sum3A_74 [0] : vector<32x4x128xf32> to vector<4x128xf32>
    %reshape3A_76 = vector.shape_cast %reduce_sum3A_75 : vector<4x128xf32> to vector<4x8x16xf32>
    %reduce_sum3A_77 = arith.constant dense<0.000000e+00> : vector<4x8xf32>
    %reduce_sum3A_78 = vector.multi_reduction <add>, %reshape3A_76, %reduce_sum3A_77 [2] : vector<4x8x16xf32> to vector<4x8xf32>
    %reshape3A_79 = vector.shape_cast %reduce_sum3A_78 : vector<4x8xf32> to vector<32x1xf32>
    %slice3A_80 = vector.extract_strided_slice %reshape3A_79 {offsets = [0, 0], sizes = [15, 1], strides = [1, 1]} : vector<32x1xf32> to vector<15x1xf32>
    %max3A = arith.constant 1.000000e+00 : f32
    %max3A_81 = vector.broadcast %max3A : f32 to vector<15x1xf32>
    %max3A_82 = arith.maximumf %slice3A, %max3A_81 : vector<15x1xf32>
    %div3A_83 = arith.constant 1.000000e+06 : f32
    %div3A_84 = vector.broadcast %div3A_83 : f32 to vector<15x1xf32>
    %div3A_85 = arith.divf %slice3A, %div3A_84 : vector<15x1xf32>
    %div3A_86 = arith.divf %slice3A_72, %max3A_82 : vector<15x1xf32>
    %div3A_87 = arith.divf %slice3A_80, %max3A_82 : vector<15x1xf32>
    %sub3A_88 = arith.subf %div3A_86, %div3A_87 : vector<15x1xf32>
    %abs3A = math.absf %sub3A_88 : vector<15x1xf32>
    %mul3A_89 = arith.mulf %abs3A, %div3A_85 : vector<15x1xf32>
    %gt3A = arith.constant 0.000000e+00 : f32
    %gt3A_90 = vector.broadcast %gt3A : f32 to vector<15x1xf32>
    %gt3A_91 = arith.cmpf ogt, %div3A_85, %gt3A_90 : vector<15x1xf32>
    %jit3A_92 = arith.constant 0.000000e+00 : f32
    %broadcast_in_dim3A_93 = vector.broadcast %jit3A_92 : f32 to vector<15x1xf32>
    %select_n3A_94 = arith.select %gt3A_91, %mul3A_89, %broadcast_in_dim3A_93 : vector<15x1xi1>, vector<15x1xf32>
    %reduce_sum3A_95 = vector.shape_cast %select_n3A_94 : vector<15x1xf32> to vector<1x15x1xf32>
    %reduce_sum3A_96 = arith.constant dense<0.000000e+00> : vector<1xf32>
    %reduce_sum3A_97 = vector.multi_reduction <add>, %reduce_sum3A_95, %reduce_sum3A_96 [1, 2] : vector<1x15x1xf32> to vector<1xf32>
    %reduce_sum3A_98 = vector.shape_cast %reduce_sum3A_97 : vector<1xf32> to vector<1x1x1xf32>
    %reduce_sum3A_99 = vector.extract %reduce_sum3A_98[0, 0, 0] : f32 from vector<1x1x1xf32>
    %swap3A = arith.constant 0 : index
    %swap3A_100 = memref.load %arg1[%swap3A] : memref<1xf32, #tpu.memory_space<smem>>
    memref.store %reduce_sum3A_99, %arg1[%swap3A] : memref<1xf32, #tpu.memory_space<smem>>
    return
  }
}

</mosaic_0001>

<sc_bundles>
// kernel: kernel.4.cloned.1.call-start
scs
__scs_entry_jumppad:
0x0: {  	(pc) =	sbr.rel $0x88, $3  }
0x1: {  	(tag) =	ssettag $0x0;
	lr =	simm.s32 $0x1  }
0x2: {  	[smem:$0x3F9E] =	sst lr;
	_ =	strace $0xD0000000  }
0x3: {  	_ = 	snop  }
0x4: {  	_ = 	snop  }
0x5: {  	_ = 	snop  }
0x6: {  	_ = 	snop  }
0x7: {  	_ = 	snop  }
__scs_overlays_trampoline_lowered:
0x8: {  	[smem:$0x3FAD] =	sst s0  }
0x9: {  	[smem:$0x3FAE] =	sst s1  }
0xa: {  	[smem:$0x3FAF] =	sst s2  }
0xb: {  	[smem:$0x3FB0] =	sst s3  }
0xc: {  	[smem:$0x3FB1] =	sst s4  }
0xd: {  	[smem:$0x3FB2] =	sst s5  }
0xe: {  	[smem:$0x3FB3] =	sst s6  }
0xf: {  	[smem:$0x3FB4] =	sst s7  }
0x10: {  	[smem:$0x3FB5] =	sst s8  }
0x11: {  	[smem:$0x3FB6] =	sst s9;
	s0 =	simm.s32 @!p0 $0x0  }
0x12: {  	s1 =	sld [smem:$0x3F9C];
	s0 =	simm.s32 @p0 $0x1  }
0x13: {  	[smem:$0x3FB7] =	sst s0;
	s0 =	simm.s32 @!p1 $0x0  }
0x14: {  	s2 =	sld [smem:$0x3F9B];
	s0 =	simm.s32 @p1 $0x1  }
0x15: {  	[smem:$0x3FB8] =	sst s0;
	s0 =	simm.s32 @!p2 $0x0  }
0x16: {  	s3 =	sld [smem:$0x3FDB];
	s0 =	simm.s32 @p2 $0x1  }
0x17: {  	s4 =	simm.s32 $0x1BF5;
	[smem:$0x3FBA] =	sst s0  }
0x18: {  	s0 =	sld [smem:$0x3F9D];
	_ =	swait.ge [sflag:s4], $0x0  }
0x19: {  	s7 =	sld [smem:$0x3F9E]  }
0x1a: {  	s8 =	sadd.s32 $0xFFFFE003, lr  }
0x1b: {  	s9 =	sadd.s32 $0xFFFFFEF7, lr;
	s5 =	simm.s32 $0xFFFFFFFF;
	p2 =	slt.u32 s8, $0xFFFFF086  }
0x1c: {  	p1 =	slt.u32 s9, $0xF7A;
	s5 =	simm.s32 @!p2 $0x0  }
0x1d: {  	s5 =	simm.s32 @p1 $0x1;
	p0 =	seq.s32 s7, s2  }
0x1e: {  	s7 =	smul.u32 @!p0 $0xF7A, s2;
	p2 =	seq.s32 @!p0 s5, $0x0  }
0x1f: {  	s9 =	smul.u32 $0xF7A, s1;
	s8 =	simm.s32 @!p0 $0x1BF5;
	p2 =	por !p2, p0  }
0x20: {  	[sflag:s8] =	ssyncset.s32 @!p0 $0xFFFFF086;
	s6 =	sadd.s32 @!p0 s3, s7;
	s7 =	simm.s32 @!p0 $0x108  }
0x21: {  	s3 =	sadd.s32 s3, s9;
	s6 =	sadd.s32 @!p0 $0x88, s6;
	s7 =	simm.s32 @p2 $0x1082  }
0x22: {  	[simem:s7], [sflag:s8] =	dma.local @!p0 [hbm:s6], $0xF7A  }
0x23: {  	s9 =	sor.u32 $0xD0000000, s2;
	s6 =	simm.s32 $0x108;
	_ =	swait.ge @!p0 [sflag:s8], $0x0  }
0x24: {  	s3 =	sadd.s32 $0x88, s3;
	s6 =	simm.s32 @!p1 $0x1082;
	[sflag:s4] =	ssyncset.s32 $0xFFFFF086  }
0x25: {  	[simem:s6], [sflag:s4] =	dma.local [hbm:s3], $0xF7A  }
0x26: {  	[smem:$0x3F9E] =	sst s1;
	(tag) =	ssettag s2;
	_ =	strace s9  }
0x27: {  	s1 =	sld [smem:$0x3FAE]  }
0x28: {  	s2 =	sld [smem:$0x3FAF]  }
0x29: {  	s4 =	sld [smem:$0x3FB1]  }
0x2a: {  	p0 =	seq.s32 s5, $0x0;
	s5 =	sld [smem:$0x3FB2]  }
0x2b: {  	s6 =	sld [smem:$0x3FB3]  }
0x2c: {  	s7 =	sld [smem:$0x3FB4]  }
0x2d: {  	s3 =	simm.s32 $0x108;
	s8 =	sld [smem:$0x3FB5]  }
0x2e: {  	s3 =	simm.s32 @!p0 $0x1082;
	s9 =	sld [smem:$0x3FB6]  }
0x2f: {  	lr =	sadd.s32 s0, s3;
	s0 =	sld [smem:$0x3FAD]  }
0x30: {  	s3 =	sld [smem:$0x3FB0]  }
0x31: {  	[smem:$0x3FB9] =	sst s10  }
0x32: {  	s10 =	sld [smem:$0x3FB7];
	_ =	sdelay $0x3  }
0x33: {  	p0 =	seq.s32 s10, $0x1;
	s10 =	sld [smem:$0x3FB9];
	_ =	sdelay $0x3  }
0x34: {  	[smem:$0x3FB9] =	sst s10  }
0x35: {  	s10 =	sld [smem:$0x3FB8];
	_ =	sdelay $0x3  }
0x36: {  	p1 =	seq.s32 s10, $0x1;
	s10 =	sld [smem:$0x3FB9];
	_ =	sdelay $0x3  }
0x37: {  	[smem:$0x3FB9] =	sst s10  }
0x38: {  	s10 =	sld [smem:$0x3FBA]  }
0x39: {  	_ = 	snop;
	(pc) =	sbr.ind lr, $3  }
0x3a: {  	_ = 	snop  }
0x3b: {  	_ = 	snop  }
0x3c: {  	p2 =	seq.s32 s10, $0x1;
	s10 =	sld [smem:$0x3FB9]  }
0x3d: {  	_ =	shalt  }
0x3e: {  	_ =	shalt  }
0x3f: {  	_ =	shalt  }
0x40: {  	_ =	shalt  }
0x41: {  	_ =	shalt  }
0x42: {  	_ =	shalt  }
0x43: {  	_ =	shalt  }
0x44: {  	_ =	shalt  }
0x45: {  	_ =	shalt  }
0x46: {  	_ =	shalt  }
0x47: {  	_ =	shalt  }
0x48: {  	_ =	shalt  }
0x49: {  	_ =	shalt  }
0x4a: {  	_ =	shalt  }
0x4b: {  	_ =	shalt  }
0x4c: {  	_ =	shalt  }
0x4d: {  	_ =	shalt  }
0x4e: {  	_ =	shalt  }
0x4f: {  	_ =	shalt  }
0x50: {  	_ =	shalt  }
0x51: {  	_ =	shalt  }
0x52: {  	_ =	shalt  }
0x53: {  	_ =	shalt  }
0x54: {  	_ =	shalt  }
0x55: {  	_ =	shalt  }
0x56: {  	_ =	shalt  }
0x57: {  	_ =	shalt  }
0x58: {  	_ =	shalt  }
0x59: {  	_ =	shalt  }
0x5a: {  	_ =	shalt  }
0x5b: {  	_ =	shalt  }
0x5c: {  	_ =	shalt  }
0x5d: {  	_ =	shalt  }
0x5e: {  	_ =	shalt  }
0x5f: {  	_ =	shalt  }
0x60: {  	_ =	shalt  }
0x61: {  	_ =	shalt  }
0x62: {  	_ =	shalt  }
0x63: {  	_ =	shalt  }
0x64: {  	_ =	shalt  }
0x65: {  	_ =	shalt  }
0x66: {  	_ =	shalt  }
0x67: {  	_ =	shalt  }
0x68: {  	_ =	shalt  }
0x69: {  	_ =	shalt  }
0x6a: {  	_ =	shalt  }
0x6b: {  	_ =	shalt  }
0x6c: {  	_ =	shalt  }
0x6d: {  	_ =	shalt  }
0x6e: {  	_ =	shalt  }
0x6f: {  	_ =	shalt  }
0x70: {  	_ =	shalt  }
0x71: {  	_ =	shalt  }
0x72: {  	_ =	shalt  }
0x73: {  	_ =	shalt  }
0x74: {  	_ =	shalt  }
0x75: {  	_ =	shalt  }
0x76: {  	_ =	shalt  }
0x77: {  	_ =	shalt  }
0x78: {  	_ =	shalt  }
0x79: {  	_ =	shalt  }
0x7a: {  	_ =	shalt  }
0x7b: {  	_ =	shalt  }
0x7c: {  	_ =	shalt  }
0x7d: {  	_ =	shalt  }
0x7e: {  	_ =	shalt  }
0x7f: {  	_ =	shalt  }
0x80: {  	_ =	shalt  }
0x81: {  	_ =	shalt  }
0x82: {  	_ =	shalt  }
0x83: {  	_ =	shalt  }
0x84: {  	_ =	shalt  }
0x85: {  	_ =	shalt  }
0x86: {  	_ =	shalt  }
0x87: {  	_ =	shalt  }
.Lfunc_end0:
.L_simem_size_0:
called_computation_lowered:
.L_overlay_start_0:
0x88: {  	s2 =	sld [smem:$0x3FD9]  }
0x89: {  	s3 =	sld [smem:$0x3FFE];
	_ =	sdelay $0x1  }
0x8a: {  	s1 =	srdreg.scid  }
0x8b: {  	s0 =	sand.u32 $0x1, s1  }
0x8c: {  	s17 =	sshll.u32 s0, $0xA;
	s2 =	sadd.s32 s3, s2  }
0x8d: {  	s2 =	sadd.s32 s2, s17  }
0x8e: {  	[smem:$0x3FC5] =	sst s2  }
0x8f: {  	_ = 	snop  }
0x90: {  	s2 =	sld [smem:$0x3FC9]  }
0x91: {  	s18 =	sld [smem:$0x3FC8]  }
0x92: {  	s4 =	sld [smem:$0x3FC7];
	(tm) =	ssettm $0x1  }
0x93: {  	s5 =	sld [smem:$0x3FFB];
	_ =	sdelay $0x3  }
0x94: {  	_ =	strace s5  }
0x95: {  	s5 =	sld [smem:$0x3FFC];
	_ =	sdelay $0x3  }
0x96: {  	_ =	strace s5  }
0x97: {  	s5 =	sld [smem:$0x3FFD];
	_ =	sdelay $0x3  }
0x98: {  	_ =	strace s5  }
0x99: {  	_ =	strace $0x8FFFFFFF  }
0x9a: {  	s19 =	sld [smem:$0x3FDB];
	_ =	sdelay $0x1  }
0x9b: {  	s6 =	simm.s32 $_scs_section_size  }
0x9c: {  	s7 =	simm.s32 $_size__tile_overlayer_lowered;
	s8 =	simm.s32 $_tile_overlayer_lowered  }
0x9d: {  	s22 =	simm.s32 $0x1BFF;
	s21 =	sshll.u32 s8, $0x1;
	s5 =	sadd.s32 s6, s19  }
0x9e: {  	s9 =	simm.s32 $0x0;
	s20 =	sshll.u32 s7, $0x1;
	s7 =	sadd.s32 s21, s5  }
0x9f: {  	[timem:s9], [sflag:s22] =	dma.local [hbm:s7], s20  }
0xa0: {  	_ =	swait.ge [sflag:s22], s20  }
0xa1: {  	s6 =	ssub.s32 $0x0, s20;
	[sflag:s22] =	ssyncset.done $0x0  }
0xa2: {  	[sflag:s22] =	ssyncadd.s32 s6;
	_ =	sdelay $0x1  }
0xa3: {  	s23 =	simm.s32 $0x1B8B  }
0xa4: {  	_ =	swait.ge [sflag:s23], $0x1  }
0xa5: {  	[sflag:s23] =	ssyncset.done $0x0  }
0xa6: {  	s25 =	simm.s32 $0x1B8E;
	s24 =	sld [smem:$0x3FFE];
	[sflag:s23] =	ssyncadd.s32 $0xFFFFFFFF  }
0xa7: {  	s26 =	simm.s32 $execute0_lowered;
	[smem:$0x3FD2] =	sst s25  }
0xa8: {  	s7 =	sshll.u32 s26, $0x1;
	_ =	strace $0x80000046;
	[dreg:$0x1] =	wrdreg $0xFFFFFFFF  }
0xa9: {  	s28 =	simm.s32 $_size_execute0_lowered;
	s5 =	sadd.s32 s5, s7;
	[dreg:$0x0] =	wrdreg $0x0  }
0xaa: {  	s7 =	sshll.u32 s28, $0x1;
	[dreg:$0x2] =	wrdreg s5  }
0xab: {  	[dreg:$0x3] =	wrdreg s7  }
0xac: {  	[dreg:$0x4] =	wrdreg $0xC0  }
0xad: {  	_ =	task [dreg:s9], $0x5FFFF  }
0xae: {  	[dreg:$0x1] =	wrdreg $0xFFFFFFFF  }
0xaf: {  	[dreg:$0x0] =	wrdreg $0x60  }
0xb0: {  	[dreg:$0x2] =	wrdreg s2  }
0xb1: {  	[dreg:$0x3] =	wrdreg s18  }
0xb2: {  	[dreg:$0x4] =	wrdreg s4  }
0xb3: {  	[dreg:$0x5] =	wrdreg s24  }
0xb4: {  	[dreg:$0x6] =	wrdreg $0x9  }
0xb5: {  	_ =	task.clear_ibuf [dreg:s9], $0x7FFFF;
	_ =	strace $0x90000046  }
0xb6: {  	s29 =	simm.s32 $0x9;
	_ =	strace $0x80000048  }
0xb7: {  	_ =	swait.ge [sflag:s29], $0x1  }
0xb8: {  	[sflag:s29] =	ssyncadd.s32 $0xFFFFFFFF  }
0xb9: {  	_ =	strace $0x90000048  }
0xba: {  	_ =	sfence  }
0xbb: {  	s30 =	sld [smem:$0x0];
	_ =	sdelay $0x2  }
0xbc: {  	s31 =	sshll.u32 s1, $0xD;
	s1 =	sshrl.u32 s1, $0x2  }
0xbd: {  	s3 =	sand.u32 $0x4000, s31;
	s1 =	sadd.s32 s1, s30  }
0xbe: {  	s0 =	sor.u32 s3, s0;
	s1 =	sshll.u32 s1, $0x11  }
0xbf: {  	s0 =	sor.u32 s1, s0  }
0xc0: {  	s0 =	sadd.s32 $0x8F2B, s0  }
0xc1: {  	[sflag:s0] =	ssyncadd.remote.s32 $0x1  }
0xc2: {  	_ =	sfence.sel $0xFFFF  }
0xc3: {  	[dreg:$0x0] =	wrdreg $0xFFFFFFFF;
	(pc) =	sbr.abs _section_cstart, $3  }
0xc4: {  	[dreg:$0x1] =	wrdreg $0xFFFFFFFF  }
0xc5: {  	_ =	task.clear_ibuf [dreg:s9], $0x2FFFF;
	_ =	strace $0x9FFFFFFF  }
0xc6: {  	(tm) =	ssettm $0x7FFFFFFF  }
0xc7: {  	_ =	shalt  }
tec
execute0_lowered:
.L_overlay_start_1:
0x0: {  	(tag) =	ssettag $0x1  }
0x1: {  	s0 =	rddreg [dreg:$0x0]  }
0x2: {  	s1 =	rddreg [dreg:$0x1]  }
0x3: {  	s17 =	rddreg [dreg:$0x2]  }
0x4: {  	s2 =	srdreg.scid;
	s5 =	stileid.u32  }
0x5: {  	s3 =	rddreg [dreg:$0x3];
	s25 =	simm.s32 $0x1;
	s28 =	simm.s32 $0x7C00  }
0x6: {  	s29 =	simm.s32 $0x9B00;
	s30 =	simm.s32 $0xBB80;
	s31 =	simm.s32 $0x2  }
0x7: {  	s22 =	simm.s32 $0x0;
	s4 =	sand.u32 $0x1, s2;
	s5 =	sshll.u32 s5, $0x1  }
0x8: {  	s2 =	simm.s32 $0x0;
	s7 =	sadd.s32 $0x1E840, s1;
	s8 =	sadd.s32 $0x1E840, s17  }
0x9: {  	s20 =	sor.u32 s4, s5;
	[smem:$0x7FF] =	sst s2;
	s4 =	ssub.s32 $0x2, s4  }
0xa: {  	s5 =	smul.u32 $0x7A10, s20;
	_ =	strace $0x80000047;
	s6 =	sshll.u32 s20, $0x6  }
0xb: {  	s26 =	sshrl.u32 s4, $0x1;
	p0 =	sne.s32 s20, $0x1F;
	s18 =	sadd.s32 s6, s3  }
0xc: {  	s19 =	ssub.s32 s4, s26;
	s6 =	sadd.s32 $0x1E840, s0;
	s26 =	simm.s32 $0x5D00  }
0xd: {  	s14 =	sshrl.u32 s5, $0x3;
	s18 =	sadd.s32 $0x600, s18;
	s19 =	smax.u32 s19, $0x1  }
0xe: {  	s3 =	sadd.s32 s0, s14;
	s4 =	sadd.s32 s1, s14;
	s5 =	sadd.s32 s17, s14  }
.Ltmp0:
0xf: {  	s11 =	sadd.s32 $0x3D2, s14;
	s15 =	sadd.s32 $0x7A2, s14;
	(pc) =	sbr.rel .LBB2_1-.Ltmp0, $4  }
0x10: {  	s21 =	sadd.s32 $0xB72, s14;
	s9 =	sadd.s32 s0, s11;
	s10 =	sadd.s32 s1, s11  }
0x11: {  	s11 =	sadd.s32 s17, s11;
	s12 =	sadd.s32 s0, s15;
	s13 =	sadd.s32 s1, s15  }
0x12: {  	v0 =	vlaneseq.u32;
	s14 =	sadd.s32 s17, s15;
	s15 =	sadd.s32 s0, s21;
	s16 =	sadd.s32 s1, s21  }
0x13: {  	v1 =	vimm.f32 $0.0e+00;
	v2 =	vimm.f32 $1.000000000e+00;
	v3 =	vor.u32 $0xF0, v0;
	s17 =	sadd.s32 s17, s21;
	s1 =	simm.s32 $0x3;
	s0 =	simm.s32 $0x4  }
.LBB2_12:
0x14: {  	v9 =	vtrunc.f32 v9  }
0x15: {  	v9 =	vcvt.f32.s32 v9;
	_ =	sdelay $0x1  }
0x16: {  	s21 =	sadd.s32 $0x10, s21;
	vm1 =	vgt.s32 v9, $0x0  }
0x17: {  	s20 =	sadd.s32 $0x10, s20;
	v10 =	vld [tilespmem:s21+$0x0];
	v9 =	vnsel vm1, $0x0, v9  }
0x18: {  	v11 =	vor.u32 v0, v8;
	v12 =	vld [tilespmem:s20+$0x0];
	v9 =	vmin.u32 v9, $0xE  }
0x19: {  	v62 =	vadd.s32 v3, v8;
	vm14 =	vgt.f32 v4, $0.0e+00;
	v9 =	vshll.u32 v9, $0x4  }
0x1a: {  	v13 =	vor.u32 v0, v9  }
0x1b: {  	vm2 =	veq.s32 v6, v7;
	v63 =	vadd.s32 v3, v9  }
0x1c: {  	v7 =	vsel vm2, $0x3F800800, v2  }
0x1d: {  	[tilespmem:v11+s30+$0x0] =	vst.idx.add.f32.msk vm0, v7;
	vm15 =	veq.s32 v10, v12  }
0x1e: {  	[tilespmem:v62+s30+$0x0] =	vst.idx.add.f32.msk vm0, v5;
	v5 =	vsel vm15, $0x3F800800, v2  }
0x1f: {  	[tilespmem:v13+s30+$0x0] =	vst.idx.add.f32.msk vm14, v5  }
0x20: {  	[tilespmem:v63+s30+$0x0] =	vst.idx.add.f32.msk vm14, v4  }
.LBB2_13:
0x21: {  	s22 =	sadd.s32 $0x1, s22  }
0x22: {  	p1 =	sne.s32 s22, s19  }
.Ltmp1:
0x23: {  	_ = 	snop;
	(pc) =	sbr.rel @!p1 .LBB2_14-.Ltmp1, $4  }
0x24: {  	[hbm4b:s18+s2] =	stream.linear.scatter [tilespmem:s30], [sflag:$0x4], $0x200, $0x38;
	[tilespmem:$0xBD80] =	vst v63  }
0x25: {  	_ =	swait.ge [sflag:s0], $0x200  }
0x26: {  	[sflag:s0] =	ssyncset.done $0x0  }
0x27: {  	[sflag:s0] =	ssyncadd.s32 $0xFFFFFE00  }
.LBB2_1:
0x28: {  	[tilespmem:s2], [sflag:$0x1] =	stream.linear.gather [hbm4b:s3+s2], $0x1E90, $0x38;
	[tilespmem:$0xBD80] =	vst v63  }
0x29: {  	s20 =	simm.s32 $0x1F00  }
0x2a: {  	[tilespmem:s20], [sflag:$0x1] =	stream.linear.gather [hbm4b:s4+s2], $0x1E90, $0x38;
	[tilespmem:$0xBD80] =	vst v63  }
0x2b: {  	s24 =	simm.s32 $0x3E00  }
0x2c: {  	[tilespmem:s24], [sflag:$0x1] =	stream.linear.gather [hbm4b:s5+s2], $0x1E90, $0x38;
	[tilespmem:$0xBD80] =	vst v63  }
0x2d: {  	s21 =	simm.s32 $0xBA00  }
0x2e: {  	[tilespmem:s21], [sflag:$0x3] =	stream.linear.gather [hbm4b:s6+s2], $0x40, $0x38;
	[tilespmem:$0xBD80] =	vst v63  }
0x2f: {  	s23 =	simm.s32 $0xBA80  }
0x30: {  	[tilespmem:s23], [sflag:$0x3] =	stream.linear.gather [hbm4b:s7+s2], $0x40, $0x38;
	[tilespmem:$0xBD80] =	vst v63  }
0x31: {  	s24 =	simm.s32 $0xBB00  }
0x32: {  	[tilespmem:s24], [sflag:$0x3] =	stream.linear.gather [hbm4b:s8+s2], $0x40, $0x38;
	[tilespmem:$0xBD80] =	vst v63  }
0x33: {  	[tilespmem:$0xBB80] =	vst v1  }
0x34: {  	[tilespmem:$0xBB90] =	vst v1  }
0x35: {  	[tilespmem:$0xBBA0] =	vst v1  }
0x36: {  	[tilespmem:$0xBBB0] =	vst v1  }
0x37: {  	[tilespmem:$0xBBC0] =	vst v1  }
0x38: {  	[tilespmem:$0xBBD0] =	vst v1  }
0x39: {  	[tilespmem:$0xBBE0] =	vst v1  }
0x3a: {  	[tilespmem:$0xBBF0] =	vst v1  }
0x3b: {  	[tilespmem:$0xBC00] =	vst v1  }
0x3c: {  	[tilespmem:$0xBC10] =	vst v1  }
0x3d: {  	[tilespmem:$0xBC20] =	vst v1  }
0x3e: {  	[tilespmem:$0xBC30] =	vst v1  }
0x3f: {  	[tilespmem:$0xBC40] =	vst v1  }
0x40: {  	[tilespmem:$0xBC50] =	vst v1  }
0x41: {  	[tilespmem:$0xBC60] =	vst v1  }
0x42: {  	[tilespmem:$0xBC70] =	vst v1  }
0x43: {  	[tilespmem:$0xBC80] =	vst v1  }
0x44: {  	[tilespmem:$0xBC90] =	vst v1  }
0x45: {  	[tilespmem:$0xBCA0] =	vst v1  }
0x46: {  	[tilespmem:$0xBCB0] =	vst v1  }
0x47: {  	[tilespmem:$0xBCC0] =	vst v1  }
0x48: {  	[tilespmem:$0xBCD0] =	vst v1  }
0x49: {  	[tilespmem:$0xBCE0] =	vst v1  }
0x4a: {  	[tilespmem:$0xBCF0] =	vst v1  }
0x4b: {  	[tilespmem:$0xBD00] =	vst v1  }
0x4c: {  	[tilespmem:$0xBD10] =	vst v1  }
0x4d: {  	[tilespmem:$0xBD20] =	vst v1  }
0x4e: {  	[tilespmem:$0xBD30] =	vst v1  }
0x4f: {  	[tilespmem:$0xBD40] =	vst v1  }
0x50: {  	[tilespmem:$0xBD50] =	vst v1  }
0x51: {  	[tilespmem:$0xBD60] =	vst v1  }
0x52: {  	[tilespmem:$0xBD70] =	vst v1  }
0x53: {  	_ =	swait.ge [sflag:s25], $0x1E90  }
0x54: {  	[sflag:s25] =	ssyncset.done $0x0  }
0x55: {  	[sflag:s25] =	ssyncadd.s32 $0xFFFFE170  }
0x56: {  	_ =	swait.ge [sflag:s25], $0x1E90  }
0x57: {  	[sflag:s25] =	ssyncset.done $0x0  }
0x58: {  	[sflag:s25] =	ssyncadd.s32 $0xFFFFE170  }
0x59: {  	_ =	swait.ge [sflag:s25], $0x1E90  }
0x5a: {  	[sflag:s25] =	ssyncset.done $0x0  }
0x5b: {  	[sflag:s25] =	ssyncadd.s32 $0xFFFFE170  }
0x5c: {  	[tilespmem:s26], [sflag:$0x2] =	stream.linear.gather [hbm4b:s9+s2], $0x1E80, $0x38;
	[tilespmem:$0xBD80] =	vst v63  }
0x5d: {  	_ = 	snop  }
0x5e: {  	[tilespmem:s28], [sflag:$0x2] =	stream.linear.gather [hbm4b:s10+s2], $0x1E80, $0x38;
	[tilespmem:$0xBD80] =	vst v63  }
0x5f: {  	s21 =	simm.s32 $0x40  }
0x60: {  	[tilespmem:s29], [sflag:$0x2] =	stream.linear.gather [hbm4b:s11+s2], $0x1E80, $0x38;
	[tilespmem:$0xBD80] =	vst v63  }
0x61: {  	v9 =	vld [tilespmem:s21+$0x30]  }
0x62: {  	v10 =	vld [tilespmem:s21+$0x20]  }
0x63: {  	v8 =	vld [tilespmem:s21+$0x10]  }
0x64: {  	v6 =	vld [tilespmem:s21+$0x0]  }
0x65: {  	v4 =	vld [tilespmem:s21+$0xFFFFFFF0]  }
0x66: {  	v7 =	vld [tilespmem:s21+$0xFFFFFFE0]  }
0x67: {  	v5 =	vld [tilespmem:s21+$0xFFFFFFD0];
	_ =	sdelay $0x1  }
0x68: {  	v11 =	vmul.f32 $1.500000000e+01, v9  }
0x69: {  	v12 =	vmul.f32 $1.500000000e+01, v10;
	v14 =	vmul.f32 $1.500000000e+01, v8  }
0x6a: {  	v15 =	vmul.f32 $1.500000000e+01, v6;
	v17 =	vmul.f32 $1.500000000e+01, v4  }
0x6b: {  	v19 =	vmul.f32 $1.500000000e+01, v7;
	v21 =	vmul.f32 $1.500000000e+01, v5  }
0x6c: {  	s23 =	simm.s32 $0x3E40;
	v13 =	vtrunc.f32 v11;
	v16 =	vtrunc.f32 v12  }
0x6d: {  	s24 =	simm.s32 $0x1F40;
	v27 =	vld [tilespmem:s23+$0x10];
	v20 =	vtrunc.f32 v15;
	v22 =	vtrunc.f32 v14  }
0x6e: {  	v29 =	vld [tilespmem:s24+$0x10];
	v19 =	vtrunc.f32 v19;
	v21 =	vtrunc.f32 v21  }
0x6f: {  	v30 =	vld [tilespmem:s23+$0x20];
	vm1 =	vgt.f32 v9, $0.0e+00;
	v17 =	vtrunc.f32 v17;
	v18 =	vcvt.f32.s32 v13  }
0x70: {  	v34 =	vld [tilespmem:s24+$0x20];
	vm2 =	vgt.f32 v10, $0.0e+00;
	v23 =	vcvt.f32.s32 v16;
	v19 =	vcvt.f32.s32 v19  }
0x71: {  	v35 =	vld [tilespmem:s23+$0x30];
	vm0 =	vgt.f32 v7, $0.0e+00;
	v22 =	vcvt.f32.s32 v22;
	v20 =	vcvt.f32.s32 v20  }
0x72: {  	v37 =	vld [tilespmem:s24+$0x30];
	v21 =	vcvt.f32.s32 v21;
	v17 =	vcvt.f32.s32 v17;
	vm3 =	vgt.s32 v18, $0x0  }
0x73: {  	v36 =	vld [tilespmem:s23+$0xFFFFFFE0];
	vm4 =	vgt.s32 v19, $0x0;
	vm15 =	vgt.s32 v22, $0x0;
	vm5 =	vgt.s32 v20, $0x0  }
0x74: {  	v38 =	vld [tilespmem:s24+$0xFFFFFFE0];
	v16 =	vnsel vm3, $0x0, v18;
	vm3 =	vgt.s32 v23, $0x0;
	v25 =	vnsel vm4, $0x0, v19  }
0x75: {  	v11 =	vld [tilespmem:s23+$0xFFFFFFC0];
	v20 =	vnsel vm5, $0x0, v20;
	v40 =	vnsel vm15, $0x0, v22;
	v18 =	vmin.u32 v16, $0xE  }
0x76: {  	v12 =	vld [tilespmem:s24+$0xFFFFFFC0];
	v25 =	vmin.u32 v25, $0xE;
	v23 =	vnsel vm3, $0x0, v23;
	vm3 =	vgt.s32 v21, $0x0  }
0x77: {  	v14 =	vld [tilespmem:s24+$0x0];
	v28 =	vmin.u32 v20, $0xE;
	v24 =	vshll.u32 v18, $0x4;
	v23 =	vmin.u32 v23, $0xE  }
0x78: {  	v15 =	vld [tilespmem:s23+$0xFFFFFFD0];
	v25 =	vshll.u32 v25, $0x4;
	v21 =	vnsel vm3, $0x0, v21;
	vm3 =	vgt.s32 v17, $0x0  }
0x79: {  	v13 =	vld [tilespmem:s23+$0x0];
	v39 =	vshll.u32 v28, $0x4;
	v23 =	vshll.u32 v23, $0x4;
	v26 =	vor.u32 v0, v25  }
0x7a: {  	v19 =	vld [tilespmem:s24+$0xFFFFFFF0];
	v21 =	vmin.u32 v21, $0xE;
	v28 =	vnsel vm3, $0x0, v17;
	v31 =	vor.u32 v0, v24  }
0x7b: {  	v17 =	vld [tilespmem:s21+$0xFFFFFFC0];
	v20 =	vadd.s32 v3, v23;
	v33 =	vshll.u32 v21, $0x4;
	v28 =	vmin.u32 v28, $0xE  }
0x7c: {  	v16 =	vld [tilespmem:s24+$0xFFFFFFD0];
	v21 =	vor.u32 v0, v39;
	v32 =	vor.u32 v0, v23;
	v23 =	vadd.s32 v3, v39  }
0x7d: {  	s20 =	simm.s32 $0x0;
	v18 =	vld [tilespmem:s23+$0xFFFFFFF0];
	s21 =	simm.s32 $0xC0;
	v39 =	vmin.u32 v40, $0xE;
	v22 =	vor.u32 v0, v33;
	v28 =	vshll.u32 v28, $0x4  }
.LBB2_2:
0x7e: {  	v40 =	vld [tilespmem:s21+$0x30];
	s20 =	sadd.s32 $0x80, s20;
	v41 =	vor.u32 v0, v28;
	vm3 =	veq.s32 v29, v27;
	v27 =	vshll.u32 v39, $0x4;
	s24 =	sadd.s32 $0x80, s24;
	s23 =	sadd.s32 $0x80, s23  }
0x7f: {  	v33 =	vadd.s32 v3, v33;
	v29 =	vld [tilespmem:s21+$0xFFFFFFD0];
	p1 =	slt.u32 s20, $0x1E00;
	v39 =	vor.u32 v0, v27;
	vm4 =	veq.s32 v37, v35  }
0x80: {  	v24 =	vadd.s32 v3, v24;
	v35 =	vld [tilespmem:s21+$0xFFFFFFE0];
	v37 =	vmul.f32 $1.500000000e+01, v17;
	v42 =	vsel vm4, $0x3F800800, v2  }
0x81: {  	v25 =	vadd.s32 v3, v25;
	vm5 =	veq.s32 v34, v30;
	v27 =	vadd.s32 v3, v27;
	v43 =	vld [tilespmem:s21+$0xFFFFFFF0]  }
0x82: {  	vm9 =	veq.s32 v19, v18;
	v30 =	vld [tilespmem:s21+$0x0];
	v34 =	vtrunc.f32 v37;
	vm6 =	veq.s32 v38, v36  }
0x83: {  	vm8 =	veq.s32 v14, v13;
	vm4 =	veq.s32 v12, v11;
	v18 =	vld [tilespmem:s21+$0x10];
	v11 =	vcvt.f32.s32 v34  }
0x84: {  	vm10 =	veq.s32 v16, v15;
	vm11 =	vgt.f32 v8, $0.0e+00;
	v12 =	vld [tilespmem:s21+$0x20]  }
0x85: {  	v13 =	vsel vm6, $0x3F800800, v2;
	vm6 =	vgt.f32 v4, $0.0e+00;
	vm7 =	vgt.s32 v11, $0x0;
	[tilespmem:v31+s30+$0x0] =	vst.idx.add.f32.msk vm1, v42  }
0x86: {  	v14 =	vsel vm5, $0x3F800800, v2;
	v11 =	vnsel vm7, $0x0, v11;
	[tilespmem:v26+s30+$0x0] =	vst.idx.add.f32.msk vm0, v13;
	v13 =	vadd.s32 v3, v28  }
0x87: {  	vm5 =	vgt.f32 v5, $0.0e+00;
	v11 =	vmin.u32 v11, $0xE;
	[tilespmem:v32+s30+$0x0] =	vst.idx.add.f32.msk vm2, v14  }
0x88: {  	vm12 =	vgt.f32 v6, $0.0e+00;
	vm7 =	vgt.f32 v17, $0.0e+00;
	v11 =	vshll.u32 v11, $0x4;
	[tilespmem:v24+s30+$0x0] =	vst.idx.add.f32.msk vm1, v9;
	v9 =	vmovc v40  }
0x89: {  	v15 =	vsel vm3, $0x3F800800, v2;
	v14 =	vor.u32 v0, v11;
	v11 =	vadd.s32 v3, v11;
	[tilespmem:v20+s30+$0x0] =	vst.idx.add.f32.msk vm2, v10  }
0x8a: {  	v16 =	vsel vm9, $0x3F800800, v2;
	v10 =	vmov v12;
	[tilespmem:v39+s30+$0x0] =	vst.idx.add.f32.msk vm11, v15  }
0x8b: {  	[tilespmem:v41+s30+$0x0] =	vst.idx.add.f32.msk vm6, v16  }
0x8c: {  	v12 =	vsel vm10, $0x3F800800, v2;
	[tilespmem:v27+s30+$0x0] =	vst.idx.add.f32.msk vm11, v8;
	v8 =	vmov v18  }
0x8d: {  	[tilespmem:v22+s30+$0x0] =	vst.idx.add.f32.msk vm5, v12;
	v12 =	vsel vm8, $0x3F800800, v2  }
0x8e: {  	[tilespmem:v21+s30+$0x0] =	vst.idx.add.f32.msk vm12, v12  }
0x8f: {  	[tilespmem:v23+s30+$0x0] =	vst.idx.add.f32.msk vm12, v6;
	v6 =	vmov v30  }
0x90: {  	v12 =	vsel vm4, $0x3F800800, v2;
	[tilespmem:v25+s30+$0x0] =	vst.idx.add.f32.msk vm0, v7;
	v7 =	vmov v35  }
0x91: {  	v15 =	vmul.f32 $1.500000000e+01, v9;
	[tilespmem:v14+s30+$0x0] =	vst.idx.add.f32.msk vm7, v12  }
0x92: {  	v12 =	vmul.f32 $1.500000000e+01, v10;
	[tilespmem:v13+s30+$0x0] =	vst.idx.add.f32.msk vm6, v4;
	v4 =	vmov v43  }
0x93: {  	v14 =	vmul.f32 $1.500000000e+01, v8;
	v13 =	vtrunc.f32 v15;
	[tilespmem:v11+s30+$0x0] =	vst.idx.add.f32.msk vm7, v17  }
0x94: {  	vm1 =	vgt.f32 v9, $0.0e+00;
	v15 =	vmul.f32 $1.500000000e+01, v6;
	v16 =	vtrunc.f32 v12;
	[tilespmem:v33+s30+$0x0] =	vst.idx.add.f32.msk vm5, v5;
	v5 =	vmovc v29  }
0x95: {  	vm2 =	vgt.f32 v10, $0.0e+00;
	v17 =	vmul.f32 $1.500000000e+01, v4;
	v18 =	vcvt.f32.s32 v13;
	v11 =	vld [tilespmem:s23+$0xFFFFFFC0]  }
0x96: {  	v19 =	vmul.f32 $1.500000000e+01, v7;
	vm0 =	vgt.f32 v7, $0.0e+00;
	v20 =	vtrunc.f32 v15;
	v12 =	vld [tilespmem:s24+$0xFFFFFFC0]  }
0x97: {  	v22 =	vtrunc.f32 v14;
	v21 =	vmul.f32 $1.500000000e+01, v5;
	vm3 =	vgt.s32 v18, $0x0;
	v13 =	vld [tilespmem:s23+$0x0]  }
0x98: {  	v19 =	vtrunc.f32 v19;
	v23 =	vcvt.f32.s32 v16;
	v16 =	vnsel vm3, $0x0, v18;
	v14 =	vld [tilespmem:s24+$0x0]  }
0x99: {  	v19 =	vcvt.f32.s32 v19;
	v22 =	vcvt.f32.s32 v22;
	v18 =	vmin.u32 v16, $0xE;
	v15 =	vld [tilespmem:s23+$0xFFFFFFD0]  }
0x9a: {  	vm3 =	vgt.s32 v23, $0x0;
	v21 =	vtrunc.f32 v21;
	v24 =	vshll.u32 v18, $0x4;
	v16 =	vld [tilespmem:s24+$0xFFFFFFD0]  }
0x9b: {  	v17 =	vtrunc.f32 v17;
	v20 =	vcvt.f32.s32 v20;
	vm4 =	vgt.s32 v19, $0x0;
	v18 =	vld [tilespmem:s23+$0xFFFFFFF0]  }
0x9c: {  	v17 =	vcvt.f32.s32 v17;
	v25 =	vnsel vm4, $0x0, v19;
	v21 =	vcvt.f32.s32 v21;
	v19 =	vld [tilespmem:s24+$0xFFFFFFF0]  }
0x9d: {  	vm4 =	vgt.s32 v22, $0x0;
	v23 =	vnsel vm3, $0x0, v23;
	v25 =	vmin.u32 v25, $0xE;
	v27 =	vld [tilespmem:s23+$0x10]  }
0x9e: {  	vm5 =	vgt.s32 v20, $0x0;
	v23 =	vmin.u32 v23, $0xE;
	vm3 =	vgt.s32 v21, $0x0;
	v29 =	vld [tilespmem:s24+$0x10]  }
0x9f: {  	v20 =	vnsel vm5, $0x0, v20;
	v25 =	vshll.u32 v25, $0x4;
	v23 =	vshll.u32 v23, $0x4;
	v30 =	vld [tilespmem:s23+$0x20]  }
0xa0: {  	v28 =	vmin.u32 v20, $0xE;
	v20 =	vadd.s32 v3, v23;
	v21 =	vnsel vm3, $0x0, v21;
	v34 =	vld [tilespmem:s24+$0x20]  }
.Ltmp2:
0xa1: {  	v26 =	vor.u32 v0, v25;
	v39 =	vshll.u32 v28, $0x4;
	vm3 =	vgt.s32 v17, $0x0;
	v35 =	vld [tilespmem:s23+$0x30];
	(pc) =	sbr.rel @p1 .LBB2_2-.Ltmp2, $4  }
0xa2: {  	v31 =	vor.u32 v0, v24;
	v21 =	vmin.u32 v21, $0xE;
	v28 =	vnsel vm3, $0x0, v17;
	v37 =	vld [tilespmem:s24+$0x30]  }
0xa3: {  	v40 =	vnsel vm4, $0x0, v22;
	v33 =	vshll.u32 v21, $0x4;
	v28 =	vmin.u32 v28, $0xE;
	v17 =	vld [tilespmem:s21+$0xFFFFFFC0]  }
0xa4: {  	v32 =	vor.u32 v0, v23;
	v21 =	vor.u32 v0, v39;
	v22 =	vor.u32 v0, v33;
	v36 =	vld [tilespmem:s23+$0xFFFFFFE0]  }
0xa5: {  	v23 =	vadd.s32 v3, v39;
	v39 =	vmin.u32 v40, $0xE;
	v28 =	vshll.u32 v28, $0x4;
	s21 =	sadd.s32 $0x80, s21;
	v38 =	vld [tilespmem:s24+$0xFFFFFFE0]  }
0xa6: {  	_ = 	snop  }
0xa7: {  	v24 =	vadd.s32 v3, v24  }
0xa8: {  	v39 =	vshll.u32 v39, $0x4;
	vm5 =	vgt.f32 v8, $0.0e+00  }
0xa9: {  	v40 =	vor.u32 v0, v39;
	vm3 =	veq.s32 v37, v35  }
0xaa: {  	vm4 =	veq.s32 v34, v30;
	vm15 =	vgt.f32 v5, $0.0e+00;
	v37 =	vsel vm3, $0x3F800800, v2  }
0xab: {  	v61 =	vadd.s32 v3, v39;
	v59 =	vmul.f32 $1.500000000e+01, v17;
	[tilespmem:v31+s30+$0x0] =	vst.idx.add.f32.msk vm1, v37;
	vm3 =	veq.s32 v38, v36  }
0xac: {  	vm6 =	veq.s32 v29, v27;
	vm8 =	vgt.f32 v6, $0.0e+00;
	v60 =	vsel vm3, $0x3F800800, v2;
	[tilespmem:v24+s30+$0x0] =	vst.idx.add.f32.msk vm1, v9  }
0xad: {  	v30 =	vtrunc.f32 v59;
	vm1 =	veq.s32 v19, v18;
	v18 =	vsel vm6, $0x3F800800, v2;
	[tilespmem:v26+s30+$0x0] =	vst.idx.add.f32.msk vm0, v60  }
0xae: {  	v30 =	vcvt.f32.s32 v30;
	v26 =	vsel vm4, $0x3F800800, v2;
	[tilespmem:v40+s30+$0x0] =	vst.idx.add.f32.msk vm5, v18  }
0xaf: {  	vm12 =	veq.s32 v14, v13;
	v31 =	vor.u32 v0, v28;
	vm3 =	vgt.f32 v4, $0.0e+00;
	[tilespmem:v32+s30+$0x0] =	vst.idx.add.f32.msk vm2, v26  }
0xb0: {  	v19 =	vsel vm1, $0x3F800800, v2;
	vm1 =	veq.s32 v16, v15;
	vm7 =	vgt.s32 v30, $0x0;
	[tilespmem:v61+s30+$0x0] =	vst.idx.add.f32.msk vm5, v8  }
0xb1: {  	v14 =	vsel vm1, $0x3F800800, v2;
	v8 =	vadd.s32 v3, v28;
	v9 =	vnsel vm7, $0x0, v30;
	[tilespmem:v20+s30+$0x0] =	vst.idx.add.f32.msk vm2, v10  }
0xb2: {  	v10 =	vadd.s32 v3, v25;
	[tilespmem:v22+s30+$0x0] =	vst.idx.add.f32.msk vm15, v14;
	v14 =	vsel vm12, $0x3F800800, v2;
	v9 =	vmin.u32 v9, $0xE  }
0xb3: {  	vm2 =	vgt.f32 v17, $0.0e+00;
	[tilespmem:v21+s30+$0x0] =	vst.idx.add.f32.msk vm8, v14;
	v14 =	vadd.s32 v3, v33;
	v9 =	vshll.u32 v9, $0x4  }
0xb4: {  	[tilespmem:v23+s30+$0x0] =	vst.idx.add.f32.msk vm8, v6;
	v13 =	vor.u32 v0, v9  }
0xb5: {  	[tilespmem:v31+s30+$0x0] =	vst.idx.add.f32.msk vm3, v19;
	v9 =	vadd.s32 v3, v9  }
0xb6: {  	[tilespmem:v8+s30+$0x0] =	vst.idx.add.f32.msk vm3, v4  }
0xb7: {  	vm1 =	veq.s32 v12, v11;
	[tilespmem:v10+s30+$0x0] =	vst.idx.add.f32.msk vm0, v7  }
0xb8: {  	v6 =	vsel vm1, $0x3F800800, v2;
	[tilespmem:v14+s30+$0x0] =	vst.idx.add.f32.msk vm15, v5  }
0xb9: {  	[tilespmem:v13+s30+$0x0] =	vst.idx.add.f32.msk vm2, v6  }
0xba: {  	[tilespmem:v9+s30+$0x0] =	vst.idx.add.f32.msk vm2, v17  }
0xbb: {  	v4 =	vld [tilespmem:$0x1E80];
	_ =	sdelay $0x4  }
0xbc: {  	v5 =	vmul.f32 $1.500000000e+01, v4;
	_ =	sdelay $0x1  }
0xbd: {  	v5 =	vtrunc.f32 v5  }
0xbe: {  	v5 =	vcvt.f32.s32 v5;
	_ =	sdelay $0x1  }
0xbf: {  	vm0 =	vgt.s32 v5, $0x0  }
0xc0: {  	v6 =	vld [tilespmem:$0x3D80];
	v5 =	vnsel vm0, $0x0, v5  }
0xc1: {  	v7 =	vld [tilespmem:$0x5C80];
	v5 =	vmin.u32 v5, $0xE  }
0xc2: {  	vm0 =	vgt.f32 v4, $0.0e+00;
	v5 =	vshll.u32 v5, $0x4  }
0xc3: {  	v8 =	vor.u32 v0, v5  }
0xc4: {  	v5 =	vadd.s32 v3, v5;
	_ =	sdelay $0x1  }
0xc5: {  	vm1 =	veq.s32 v6, v7  }
0xc6: {  	v6 =	vsel vm1, $0x3F800800, v2  }
0xc7: {  	[tilespmem:v8+s30+$0x0] =	vst.idx.add.f32.msk vm0, v6  }
0xc8: {  	[tilespmem:v5+s30+$0x0] =	vst.idx.add.f32.msk vm0, v4  }
0xc9: {  	_ =	swait.ge [sflag:s31], $0x1E80  }
0xca: {  	[sflag:s31] =	ssyncset.done $0x0  }
0xcb: {  	[sflag:s31] =	ssyncadd.s32 $0xFFFFE180  }
0xcc: {  	_ =	swait.ge [sflag:s31], $0x1E80  }
0xcd: {  	[sflag:s31] =	ssyncset.done $0x0  }
0xce: {  	[sflag:s31] =	ssyncadd.s32 $0xFFFFE180  }
0xcf: {  	_ =	swait.ge [sflag:s31], $0x1E80  }
0xd0: {  	[sflag:s31] =	ssyncset.done $0x0  }
0xd1: {  	[sflag:s31] =	ssyncadd.s32 $0xFFFFE180  }
0xd2: {  	[tilespmem:s2], [sflag:$0x1] =	stream.linear.gather [hbm4b:s12+s2], $0x1E80, $0x38;
	[tilespmem:$0xBD80] =	vst v63  }
0xd3: {  	s20 =	simm.s32 $0x1F00  }
0xd4: {  	[tilespmem:s20], [sflag:$0x1] =	stream.linear.gather [hbm4b:s13+s2], $0x1E80, $0x38;
	[tilespmem:$0xBD80] =	vst v63  }
0xd5: {  	s24 =	simm.s32 $0x3E00;
	s21 =	simm.s32 $0x5D40  }
0xd6: {  	[tilespmem:s24], [sflag:$0x1] =	stream.linear.gather [hbm4b:s14+s2], $0x1E80, $0x38;
	[tilespmem:$0xBD80] =	vst v63  }
0xd7: {  	v9 =	vld [tilespmem:s21+$0x30]  }
0xd8: {  	v10 =	vld [tilespmem:s21+$0x20]  }
0xd9: {  	v8 =	vld [tilespmem:s21+$0x10]  }
0xda: {  	v6 =	vld [tilespmem:s21+$0x0]  }
0xdb: {  	v4 =	vld [tilespmem:s21+$0xFFFFFFF0]  }
0xdc: {  	v7 =	vld [tilespmem:s21+$0xFFFFFFE0]  }
0xdd: {  	v5 =	vld [tilespmem:s21+$0xFFFFFFD0];
	_ =	sdelay $0x1  }
0xde: {  	v11 =	vmul.f32 $1.500000000e+01, v9  }
0xdf: {  	v12 =	vmul.f32 $1.500000000e+01, v10;
	v14 =	vmul.f32 $1.500000000e+01, v8  }
0xe0: {  	v15 =	vmul.f32 $1.500000000e+01, v6;
	v17 =	vmul.f32 $1.500000000e+01, v4  }
0xe1: {  	v19 =	vmul.f32 $1.500000000e+01, v7;
	v21 =	vmul.f32 $1.500000000e+01, v5  }
0xe2: {  	s23 =	simm.s32 $0x9B40;
	v13 =	vtrunc.f32 v11;
	v16 =	vtrunc.f32 v12  }
0xe3: {  	s24 =	simm.s32 $0x7C40;
	v27 =	vld [tilespmem:s23+$0x10];
	v20 =	vtrunc.f32 v15;
	v22 =	vtrunc.f32 v14  }
0xe4: {  	v29 =	vld [tilespmem:s24+$0x10];
	v19 =	vtrunc.f32 v19;
	v21 =	vtrunc.f32 v21  }
0xe5: {  	v30 =	vld [tilespmem:s23+$0x20];
	vm1 =	vgt.f32 v9, $0.0e+00;
	v17 =	vtrunc.f32 v17;
	v18 =	vcvt.f32.s32 v13  }
0xe6: {  	v34 =	vld [tilespmem:s24+$0x20];
	vm2 =	vgt.f32 v10, $0.0e+00;
	v23 =	vcvt.f32.s32 v16;
	v19 =	vcvt.f32.s32 v19  }
0xe7: {  	v35 =	vld [tilespmem:s23+$0x30];
	vm0 =	vgt.f32 v7, $0.0e+00;
	v22 =	vcvt.f32.s32 v22;
	v20 =	vcvt.f32.s32 v20  }
0xe8: {  	v37 =	vld [tilespmem:s24+$0x30];
	v21 =	vcvt.f32.s32 v21;
	v17 =	vcvt.f32.s32 v17;
	vm3 =	vgt.s32 v18, $0x0  }
0xe9: {  	v36 =	vld [tilespmem:s23+$0xFFFFFFE0];
	vm13 =	vgt.s32 v19, $0x0;
	vm14 =	vgt.s32 v22, $0x0;
	vm15 =	vgt.s32 v20, $0x0  }
0xea: {  	v38 =	vld [tilespmem:s24+$0xFFFFFFE0];
	v16 =	vnsel vm3, $0x0, v18;
	vm3 =	vgt.s32 v23, $0x0;
	v25 =	vnsel vm13, $0x0, v19  }
0xeb: {  	v11 =	vld [tilespmem:s23+$0xFFFFFFC0];
	v20 =	vnsel vm15, $0x0, v20;
	v63 =	vnsel vm14, $0x0, v22;
	v18 =	vmin.u32 v16, $0xE  }
0xec: {  	v12 =	vld [tilespmem:s24+$0xFFFFFFC0];
	v25 =	vmin.u32 v25, $0xE;
	v23 =	vnsel vm3, $0x0, v23;
	vm3 =	vgt.s32 v21, $0x0  }
0xed: {  	v14 =	vld [tilespmem:s24+$0x0];
	v28 =	vmin.u32 v20, $0xE;
	v39 =	vmin.u32 v63, $0xE;
	v24 =	vshll.u32 v18, $0x4  }
0xee: {  	v15 =	vld [tilespmem:s23+$0xFFFFFFD0];
	v23 =	vmin.u32 v23, $0xE;
	v25 =	vshll.u32 v25, $0x4;
	v21 =	vnsel vm3, $0x0, v21  }
0xef: {  	v13 =	vld [tilespmem:s23+$0x0];
	vm3 =	vgt.s32 v17, $0x0;
	v62 =	vshll.u32 v28, $0x4;
	v23 =	vshll.u32 v23, $0x4  }
0xf0: {  	v19 =	vld [tilespmem:s24+$0xFFFFFFF0];
	v26 =	vor.u32 v0, v25;
	v21 =	vmin.u32 v21, $0xE;
	v28 =	vnsel vm3, $0x0, v17  }
0xf1: {  	v31 =	vor.u32 v0, v24;
	v17 =	vld [tilespmem:s21+$0xFFFFFFC0];
	v20 =	vadd.s32 v3, v23;
	v33 =	vshll.u32 v21, $0x4  }
0xf2: {  	v16 =	vld [tilespmem:s24+$0xFFFFFFD0];
	v28 =	vmin.u32 v28, $0xE;
	v21 =	vor.u32 v0, v62;
	v32 =	vor.u32 v0, v23  }
0xf3: {  	s20 =	simm.s32 $0x0;
	v18 =	vld [tilespmem:s23+$0xFFFFFFF0];
	s21 =	simm.s32 $0x5DC0;
	v23 =	vadd.s32 v3, v62;
	v22 =	vor.u32 v0, v33;
	v28 =	vshll.u32 v28, $0x4  }
.LBB2_4:
0xf4: {  	v40 =	vld [tilespmem:s21+$0x30];
	s20 =	sadd.s32 $0x80, s20;
	v41 =	vor.u32 v0, v28;
	vm3 =	veq.s32 v29, v27;
	v27 =	vshll.u32 v39, $0x4;
	s24 =	sadd.s32 $0x80, s24;
	s23 =	sadd.s32 $0x80, s23  }
0xf5: {  	v33 =	vadd.s32 v3, v33;
	v29 =	vld [tilespmem:s21+$0xFFFFFFD0];
	p1 =	slt.u32 s20, $0x1E00;
	v39 =	vor.u32 v0, v27;
	vm4 =	veq.s32 v37, v35  }
0xf6: {  	v24 =	vadd.s32 v3, v24;
	v35 =	vld [tilespmem:s21+$0xFFFFFFE0];
	v37 =	vmul.f32 $1.500000000e+01, v17;
	v42 =	vsel vm4, $0x3F800800, v2  }
0xf7: {  	v25 =	vadd.s32 v3, v25;
	vm5 =	veq.s32 v34, v30;
	v27 =	vadd.s32 v3, v27;
	v43 =	vld [tilespmem:s21+$0xFFFFFFF0]  }
0xf8: {  	vm9 =	veq.s32 v19, v18;
	v30 =	vld [tilespmem:s21+$0x0];
	v34 =	vtrunc.f32 v37;
	vm6 =	veq.s32 v38, v36  }
0xf9: {  	vm8 =	veq.s32 v14, v13;
	vm4 =	veq.s32 v12, v11;
	v18 =	vld [tilespmem:s21+$0x10];
	v11 =	vcvt.f32.s32 v34  }
0xfa: {  	vm10 =	veq.s32 v16, v15;
	vm11 =	vgt.f32 v8, $0.0e+00;
	v12 =	vld [tilespmem:s21+$0x20]  }
0xfb: {  	v13 =	vsel vm6, $0x3F800800, v2;
	vm6 =	vgt.f32 v4, $0.0e+00;
	vm7 =	vgt.s32 v11, $0x0;
	[tilespmem:v31+s30+$0x0] =	vst.idx.add.f32.msk vm1, v42  }
0xfc: {  	v14 =	vsel vm5, $0x3F800800, v2;
	v11 =	vnsel vm7, $0x0, v11;
	[tilespmem:v26+s30+$0x0] =	vst.idx.add.f32.msk vm0, v13;
	v13 =	vadd.s32 v3, v28  }
0xfd: {  	vm5 =	vgt.f32 v5, $0.0e+00;
	v11 =	vmin.u32 v11, $0xE;
	[tilespmem:v32+s30+$0x0] =	vst.idx.add.f32.msk vm2, v14  }
0xfe: {  	vm12 =	vgt.f32 v6, $0.0e+00;
	vm7 =	vgt.f32 v17, $0.0e+00;
	v11 =	vshll.u32 v11, $0x4;
	[tilespmem:v24+s30+$0x0] =	vst.idx.add.f32.msk vm1, v9;
	v9 =	vmovc v40  }
0xff: {  	v15 =	vsel vm3, $0x3F800800, v2;
	v14 =	vor.u32 v0, v11;
	v11 =	vadd.s32 v3, v11;
	[tilespmem:v20+s30+$0x0] =	vst.idx.add.f32.msk vm2, v10  }
0x100: {  	v16 =	vsel vm9, $0x3F800800, v2;
	v10 =	vmov v12;
	[tilespmem:v39+s30+$0x0] =	vst.idx.add.f32.msk vm11, v15  }
0x101: {  	[tilespmem:v41+s30+$0x0] =	vst.idx.add.f32.msk vm6, v16  }
0x102: {  	v12 =	vsel vm10, $0x3F800800, v2;
	[tilespmem:v27+s30+$0x0] =	vst.idx.add.f32.msk vm11, v8;
	v8 =	vmov v18  }
0x103: {  	[tilespmem:v22+s30+$0x0] =	vst.idx.add.f32.msk vm5, v12;
	v12 =	vsel vm8, $0x3F800800, v2  }
0x104: {  	[tilespmem:v21+s30+$0x0] =	vst.idx.add.f32.msk vm12, v12  }
0x105: {  	[tilespmem:v23+s30+$0x0] =	vst.idx.add.f32.msk vm12, v6;
	v6 =	vmov v30  }
0x106: {  	v12 =	vsel vm4, $0x3F800800, v2;
	[tilespmem:v25+s30+$0x0] =	vst.idx.add.f32.msk vm0, v7;
	v7 =	vmov v35  }
0x107: {  	v15 =	vmul.f32 $1.500000000e+01, v9;
	[tilespmem:v14+s30+$0x0] =	vst.idx.add.f32.msk vm7, v12  }
0x108: {  	v12 =	vmul.f32 $1.500000000e+01, v10;
	[tilespmem:v13+s30+$0x0] =	vst.idx.add.f32.msk vm6, v4;
	v4 =	vmov v43  }
0x109: {  	v14 =	vmul.f32 $1.500000000e+01, v8;
	v13 =	vtrunc.f32 v15;
	[tilespmem:v11+s30+$0x0] =	vst.idx.add.f32.msk vm7, v17  }
0x10a: {  	vm1 =	vgt.f32 v9, $0.0e+00;
	v15 =	vmul.f32 $1.500000000e+01, v6;
	v16 =	vtrunc.f32 v12;
	[tilespmem:v33+s30+$0x0] =	vst.idx.add.f32.msk vm5, v5;
	v5 =	vmovc v29  }
0x10b: {  	vm2 =	vgt.f32 v10, $0.0e+00;
	v17 =	vmul.f32 $1.500000000e+01, v4;
	v18 =	vcvt.f32.s32 v13;
	v11 =	vld [tilespmem:s23+$0xFFFFFFC0]  }
0x10c: {  	v19 =	vmul.f32 $1.500000000e+01, v7;
	vm0 =	vgt.f32 v7, $0.0e+00;
	v20 =	vtrunc.f32 v15;
	v12 =	vld [tilespmem:s24+$0xFFFFFFC0]  }
0x10d: {  	v22 =	vtrunc.f32 v14;
	v21 =	vmul.f32 $1.500000000e+01, v5;
	vm3 =	vgt.s32 v18, $0x0;
	v13 =	vld [tilespmem:s23+$0x0]  }
0x10e: {  	v19 =	vtrunc.f32 v19;
	v23 =	vcvt.f32.s32 v16;
	v16 =	vnsel vm3, $0x0, v18;
	v14 =	vld [tilespmem:s24+$0x0]  }
0x10f: {  	v19 =	vcvt.f32.s32 v19;
	v22 =	vcvt.f32.s32 v22;
	v18 =	vmin.u32 v16, $0xE;
	v15 =	vld [tilespmem:s23+$0xFFFFFFD0]  }
0x110: {  	vm3 =	vgt.s32 v23, $0x0;
	v21 =	vtrunc.f32 v21;
	v24 =	vshll.u32 v18, $0x4;
	v16 =	vld [tilespmem:s24+$0xFFFFFFD0]  }
0x111: {  	v17 =	vtrunc.f32 v17;
	v20 =	vcvt.f32.s32 v20;
	vm4 =	vgt.s32 v19, $0x0;
	v18 =	vld [tilespmem:s23+$0xFFFFFFF0]  }
0x112: {  	v17 =	vcvt.f32.s32 v17;
	v25 =	vnsel vm4, $0x0, v19;
	v21 =	vcvt.f32.s32 v21;
	v19 =	vld [tilespmem:s24+$0xFFFFFFF0]  }
0x113: {  	vm4 =	vgt.s32 v22, $0x0;
	v23 =	vnsel vm3, $0x0, v23;
	v25 =	vmin.u32 v25, $0xE;
	v27 =	vld [tilespmem:s23+$0x10]  }
0x114: {  	vm5 =	vgt.s32 v20, $0x0;
	v23 =	vmin.u32 v23, $0xE;
	vm3 =	vgt.s32 v21, $0x0;
	v29 =	vld [tilespmem:s24+$0x10]  }
0x115: {  	v20 =	vnsel vm5, $0x0, v20;
	v25 =	vshll.u32 v25, $0x4;
	v23 =	vshll.u32 v23, $0x4;
	v30 =	vld [tilespmem:s23+$0x20]  }
0x116: {  	v28 =	vmin.u32 v20, $0xE;
	v20 =	vadd.s32 v3, v23;
	v21 =	vnsel vm3, $0x0, v21;
	v34 =	vld [tilespmem:s24+$0x20]  }
.Ltmp3:
0x117: {  	v26 =	vor.u32 v0, v25;
	v39 =	vshll.u32 v28, $0x4;
	vm3 =	vgt.s32 v17, $0x0;
	v35 =	vld [tilespmem:s23+$0x30];
	(pc) =	sbr.rel @p1 .LBB2_4-.Ltmp3, $4  }
0x118: {  	v31 =	vor.u32 v0, v24;
	v21 =	vmin.u32 v21, $0xE;
	v28 =	vnsel vm3, $0x0, v17;
	v37 =	vld [tilespmem:s24+$0x30]  }
0x119: {  	v40 =	vnsel vm4, $0x0, v22;
	v33 =	vshll.u32 v21, $0x4;
	v28 =	vmin.u32 v28, $0xE;
	v17 =	vld [tilespmem:s21+$0xFFFFFFC0]  }
0x11a: {  	v32 =	vor.u32 v0, v23;
	v21 =	vor.u32 v0, v39;
	v22 =	vor.u32 v0, v33;
	v36 =	vld [tilespmem:s23+$0xFFFFFFE0]  }
0x11b: {  	v23 =	vadd.s32 v3, v39;
	v39 =	vmin.u32 v40, $0xE;
	v28 =	vshll.u32 v28, $0x4;
	s21 =	sadd.s32 $0x80, s21;
	v38 =	vld [tilespmem:s24+$0xFFFFFFE0]  }
0x11c: {  	_ = 	snop  }
0x11d: {  	v24 =	vadd.s32 v3, v24  }
0x11e: {  	v39 =	vshll.u32 v39, $0x4;
	vm5 =	vgt.f32 v8, $0.0e+00  }
0x11f: {  	v40 =	vor.u32 v0, v39;
	vm3 =	veq.s32 v37, v35  }
0x120: {  	vm4 =	veq.s32 v34, v30;
	vm15 =	vgt.f32 v5, $0.0e+00;
	v37 =	vsel vm3, $0x3F800800, v2  }
0x121: {  	v61 =	vadd.s32 v3, v39;
	v59 =	vmul.f32 $1.500000000e+01, v17;
	[tilespmem:v31+s30+$0x0] =	vst.idx.add.f32.msk vm1, v37;
	vm3 =	veq.s32 v38, v36  }
0x122: {  	vm6 =	veq.s32 v29, v27;
	vm8 =	vgt.f32 v6, $0.0e+00;
	v60 =	vsel vm3, $0x3F800800, v2;
	[tilespmem:v24+s30+$0x0] =	vst.idx.add.f32.msk vm1, v9  }
0x123: {  	v30 =	vtrunc.f32 v59;
	vm1 =	veq.s32 v19, v18;
	v18 =	vsel vm6, $0x3F800800, v2;
	[tilespmem:v26+s30+$0x0] =	vst.idx.add.f32.msk vm0, v60  }
0x124: {  	v30 =	vcvt.f32.s32 v30;
	v26 =	vsel vm4, $0x3F800800, v2;
	[tilespmem:v40+s30+$0x0] =	vst.idx.add.f32.msk vm5, v18  }
0x125: {  	vm12 =	veq.s32 v14, v13;
	v31 =	vor.u32 v0, v28;
	vm3 =	vgt.f32 v4, $0.0e+00;
	[tilespmem:v32+s30+$0x0] =	vst.idx.add.f32.msk vm2, v26  }
0x126: {  	v19 =	vsel vm1, $0x3F800800, v2;
	vm1 =	veq.s32 v16, v15;
	vm7 =	vgt.s32 v30, $0x0;
	[tilespmem:v61+s30+$0x0] =	vst.idx.add.f32.msk vm5, v8  }
0x127: {  	v14 =	vsel vm1, $0x3F800800, v2;
	v8 =	vadd.s32 v3, v28;
	v9 =	vnsel vm7, $0x0, v30;
	[tilespmem:v20+s30+$0x0] =	vst.idx.add.f32.msk vm2, v10  }
0x128: {  	v10 =	vadd.s32 v3, v25;
	[tilespmem:v22+s30+$0x0] =	vst.idx.add.f32.msk vm15, v14;
	v14 =	vsel vm12, $0x3F800800, v2;
	v9 =	vmin.u32 v9, $0xE  }
0x129: {  	vm2 =	vgt.f32 v17, $0.0e+00;
	[tilespmem:v21+s30+$0x0] =	vst.idx.add.f32.msk vm8, v14;
	v14 =	vadd.s32 v3, v33;
	v9 =	vshll.u32 v9, $0x4  }
0x12a: {  	[tilespmem:v23+s30+$0x0] =	vst.idx.add.f32.msk vm8, v6;
	v13 =	vor.u32 v0, v9  }
0x12b: {  	[tilespmem:v31+s30+$0x0] =	vst.idx.add.f32.msk vm3, v19;
	v9 =	vadd.s32 v3, v9  }
0x12c: {  	[tilespmem:v8+s30+$0x0] =	vst.idx.add.f32.msk vm3, v4  }
0x12d: {  	vm1 =	veq.s32 v12, v11;
	[tilespmem:v10+s30+$0x0] =	vst.idx.add.f32.msk vm0, v7  }
0x12e: {  	v6 =	vsel vm1, $0x3F800800, v2;
	[tilespmem:v14+s30+$0x0] =	vst.idx.add.f32.msk vm15, v5  }
0x12f: {  	[tilespmem:v13+s30+$0x0] =	vst.idx.add.f32.msk vm2, v6  }
0x130: {  	[tilespmem:v9+s30+$0x0] =	vst.idx.add.f32.msk vm2, v17  }
0x131: {  	_ =	swait.ge [sflag:s25], $0x1E80  }
0x132: {  	[sflag:s25] =	ssyncset.done $0x0  }
0x133: {  	[sflag:s25] =	ssyncadd.s32 $0xFFFFE180  }
0x134: {  	_ =	swait.ge [sflag:s25], $0x1E80  }
0x135: {  	[sflag:s25] =	ssyncset.done $0x0  }
0x136: {  	[sflag:s25] =	ssyncadd.s32 $0xFFFFE180  }
0x137: {  	_ =	swait.ge [sflag:s25], $0x1E80  }
0x138: {  	[sflag:s25] =	ssyncset.done $0x0  }
0x139: {  	[sflag:s25] =	ssyncadd.s32 $0xFFFFE180  }
0x13a: {  	[tilespmem:s26], [sflag:$0x2] =	stream.linear.gather [hbm4b:s15+s2], $0x1E80, $0x38;
	[tilespmem:$0xBD80] =	vst v63  }
0x13b: {  	_ = 	snop  }
0x13c: {  	[tilespmem:s28], [sflag:$0x2] =	stream.linear.gather [hbm4b:s16+s2], $0x1E80, $0x38;
	[tilespmem:$0xBD80] =	vst v63  }
0x13d: {  	s20 =	simm.s32 $0x40  }
0x13e: {  	[tilespmem:s29], [sflag:$0x2] =	stream.linear.gather [hbm4b:s17+s2], $0x1E80, $0x38;
	[tilespmem:$0xBD80] =	vst v63  }
0x13f: {  	v9 =	vld [tilespmem:s20+$0x30]  }
0x140: {  	v10 =	vld [tilespmem:s20+$0x20]  }
0x141: {  	v8 =	vld [tilespmem:s20+$0x10]  }
0x142: {  	v6 =	vld [tilespmem:s20+$0x0]  }
0x143: {  	v4 =	vld [tilespmem:s20+$0xFFFFFFF0]  }
0x144: {  	v7 =	vld [tilespmem:s20+$0xFFFFFFE0]  }
0x145: {  	v5 =	vld [tilespmem:s20+$0xFFFFFFD0];
	_ =	sdelay $0x1  }
0x146: {  	v11 =	vmul.f32 $1.500000000e+01, v9  }
0x147: {  	v12 =	vmul.f32 $1.500000000e+01, v10;
	v14 =	vmul.f32 $1.500000000e+01, v8  }
0x148: {  	v15 =	vmul.f32 $1.500000000e+01, v6;
	v17 =	vmul.f32 $1.500000000e+01, v4  }
0x149: {  	v19 =	vmul.f32 $1.500000000e+01, v7;
	v21 =	vmul.f32 $1.500000000e+01, v5  }
0x14a: {  	s23 =	simm.s32 $0x3E40;
	v13 =	vtrunc.f32 v11;
	v16 =	vtrunc.f32 v12  }
0x14b: {  	s24 =	simm.s32 $0x1F40;
	v27 =	vld [tilespmem:s23+$0x10];
	v20 =	vtrunc.f32 v15;
	v22 =	vtrunc.f32 v14  }
0x14c: {  	v29 =	vld [tilespmem:s24+$0x10];
	v19 =	vtrunc.f32 v19;
	v21 =	vtrunc.f32 v21  }
0x14d: {  	v30 =	vld [tilespmem:s23+$0x20];
	vm1 =	vgt.f32 v9, $0.0e+00;
	v17 =	vtrunc.f32 v17;
	v18 =	vcvt.f32.s32 v13  }
0x14e: {  	v34 =	vld [tilespmem:s24+$0x20];
	vm2 =	vgt.f32 v10, $0.0e+00;
	v23 =	vcvt.f32.s32 v16;
	v19 =	vcvt.f32.s32 v19  }
0x14f: {  	v35 =	vld [tilespmem:s23+$0x30];
	vm0 =	vgt.f32 v7, $0.0e+00;
	v22 =	vcvt.f32.s32 v22;
	v20 =	vcvt.f32.s32 v20  }
0x150: {  	v37 =	vld [tilespmem:s24+$0x30];
	v21 =	vcvt.f32.s32 v21;
	v17 =	vcvt.f32.s32 v17;
	vm3 =	vgt.s32 v18, $0x0  }
0x151: {  	v36 =	vld [tilespmem:s23+$0xFFFFFFE0];
	vm13 =	vgt.s32 v19, $0x0;
	vm14 =	vgt.s32 v22, $0x0;
	vm15 =	vgt.s32 v20, $0x0  }
0x152: {  	v38 =	vld [tilespmem:s24+$0xFFFFFFE0];
	v16 =	vnsel vm3, $0x0, v18;
	vm3 =	vgt.s32 v23, $0x0;
	v25 =	vnsel vm13, $0x0, v19  }
0x153: {  	v11 =	vld [tilespmem:s23+$0xFFFFFFC0];
	v20 =	vnsel vm15, $0x0, v20;
	v63 =	vnsel vm14, $0x0, v22;
	v18 =	vmin.u32 v16, $0xE  }
0x154: {  	v12 =	vld [tilespmem:s24+$0xFFFFFFC0];
	v25 =	vmin.u32 v25, $0xE;
	v23 =	vnsel vm3, $0x0, v23;
	vm3 =	vgt.s32 v21, $0x0  }
0x155: {  	v14 =	vld [tilespmem:s24+$0x0];
	v28 =	vmin.u32 v20, $0xE;
	v39 =	vmin.u32 v63, $0xE;
	v24 =	vshll.u32 v18, $0x4  }
0x156: {  	v15 =	vld [tilespmem:s23+$0xFFFFFFD0];
	v23 =	vmin.u32 v23, $0xE;
	v25 =	vshll.u32 v25, $0x4;
	v21 =	vnsel vm3, $0x0, v21  }
0x157: {  	v13 =	vld [tilespmem:s23+$0x0];
	vm3 =	vgt.s32 v17, $0x0;
	v62 =	vshll.u32 v28, $0x4;
	v23 =	vshll.u32 v23, $0x4  }
0x158: {  	v19 =	vld [tilespmem:s24+$0xFFFFFFF0];
	v26 =	vor.u32 v0, v25;
	v21 =	vmin.u32 v21, $0xE;
	v28 =	vnsel vm3, $0x0, v17  }
0x159: {  	v31 =	vor.u32 v0, v24;
	v17 =	vld [tilespmem:s20+$0xFFFFFFC0];
	v20 =	vadd.s32 v3, v23;
	v33 =	vshll.u32 v21, $0x4  }
0x15a: {  	v16 =	vld [tilespmem:s24+$0xFFFFFFD0];
	v28 =	vmin.u32 v28, $0xE;
	v21 =	vor.u32 v0, v62;
	v32 =	vor.u32 v0, v23  }
0x15b: {  	s21 =	simm.s32 $0xC0;
	v18 =	vld [tilespmem:s23+$0xFFFFFFF0];
	s20 =	simm.s32 $0x0;
	v23 =	vadd.s32 v3, v62;
	v22 =	vor.u32 v0, v33;
	v28 =	vshll.u32 v28, $0x4  }
.LBB2_6:
0x15c: {  	v40 =	vld [tilespmem:s21+$0x30];
	s20 =	sadd.s32 $0x80, s20;
	v41 =	vor.u32 v0, v28;
	vm3 =	veq.s32 v29, v27;
	v27 =	vshll.u32 v39, $0x4;
	s24 =	sadd.s32 $0x80, s24;
	s23 =	sadd.s32 $0x80, s23  }
0x15d: {  	v33 =	vadd.s32 v3, v33;
	v29 =	vld [tilespmem:s21+$0xFFFFFFD0];
	p1 =	slt.u32 s20, $0x1E00;
	v39 =	vor.u32 v0, v27;
	vm4 =	veq.s32 v37, v35  }
0x15e: {  	v24 =	vadd.s32 v3, v24;
	v35 =	vld [tilespmem:s21+$0xFFFFFFE0];
	v37 =	vmul.f32 $1.500000000e+01, v17;
	v42 =	vsel vm4, $0x3F800800, v2  }
0x15f: {  	v25 =	vadd.s32 v3, v25;
	vm5 =	veq.s32 v34, v30;
	v27 =	vadd.s32 v3, v27;
	v43 =	vld [tilespmem:s21+$0xFFFFFFF0]  }
0x160: {  	vm9 =	veq.s32 v19, v18;
	v30 =	vld [tilespmem:s21+$0x0];
	v34 =	vtrunc.f32 v37;
	vm6 =	veq.s32 v38, v36  }
0x161: {  	vm8 =	veq.s32 v14, v13;
	vm4 =	veq.s32 v12, v11;
	v18 =	vld [tilespmem:s21+$0x10];
	v11 =	vcvt.f32.s32 v34  }
0x162: {  	vm10 =	veq.s32 v16, v15;
	vm11 =	vgt.f32 v8, $0.0e+00;
	v12 =	vld [tilespmem:s21+$0x20]  }
0x163: {  	v13 =	vsel vm6, $0x3F800800, v2;
	vm6 =	vgt.f32 v4, $0.0e+00;
	vm7 =	vgt.s32 v11, $0x0;
	[tilespmem:v31+s30+$0x0] =	vst.idx.add.f32.msk vm1, v42  }
0x164: {  	v14 =	vsel vm5, $0x3F800800, v2;
	v11 =	vnsel vm7, $0x0, v11;
	[tilespmem:v26+s30+$0x0] =	vst.idx.add.f32.msk vm0, v13;
	v13 =	vadd.s32 v3, v28  }
0x165: {  	vm5 =	vgt.f32 v5, $0.0e+00;
	v11 =	vmin.u32 v11, $0xE;
	[tilespmem:v32+s30+$0x0] =	vst.idx.add.f32.msk vm2, v14  }
0x166: {  	vm12 =	vgt.f32 v6, $0.0e+00;
	vm7 =	vgt.f32 v17, $0.0e+00;
	v11 =	vshll.u32 v11, $0x4;
	[tilespmem:v24+s30+$0x0] =	vst.idx.add.f32.msk vm1, v9;
	v9 =	vmovc v40  }
0x167: {  	v15 =	vsel vm3, $0x3F800800, v2;
	v14 =	vor.u32 v0, v11;
	v11 =	vadd.s32 v3, v11;
	[tilespmem:v20+s30+$0x0] =	vst.idx.add.f32.msk vm2, v10  }
0x168: {  	v16 =	vsel vm9, $0x3F800800, v2;
	v10 =	vmov v12;
	[tilespmem:v39+s30+$0x0] =	vst.idx.add.f32.msk vm11, v15  }
0x169: {  	[tilespmem:v41+s30+$0x0] =	vst.idx.add.f32.msk vm6, v16  }
0x16a: {  	v12 =	vsel vm10, $0x3F800800, v2;
	[tilespmem:v27+s30+$0x0] =	vst.idx.add.f32.msk vm11, v8;
	v8 =	vmov v18  }
0x16b: {  	[tilespmem:v22+s30+$0x0] =	vst.idx.add.f32.msk vm5, v12;
	v12 =	vsel vm8, $0x3F800800, v2  }
0x16c: {  	[tilespmem:v21+s30+$0x0] =	vst.idx.add.f32.msk vm12, v12  }
0x16d: {  	[tilespmem:v23+s30+$0x0] =	vst.idx.add.f32.msk vm12, v6;
	v6 =	vmov v30  }
0x16e: {  	v12 =	vsel vm4, $0x3F800800, v2;
	[tilespmem:v25+s30+$0x0] =	vst.idx.add.f32.msk vm0, v7;
	v7 =	vmov v35  }
0x16f: {  	v15 =	vmul.f32 $1.500000000e+01, v9;
	[tilespmem:v14+s30+$0x0] =	vst.idx.add.f32.msk vm7, v12  }
0x170: {  	v12 =	vmul.f32 $1.500000000e+01, v10;
	[tilespmem:v13+s30+$0x0] =	vst.idx.add.f32.msk vm6, v4;
	v4 =	vmov v43  }
0x171: {  	v14 =	vmul.f32 $1.500000000e+01, v8;
	v13 =	vtrunc.f32 v15;
	[tilespmem:v11+s30+$0x0] =	vst.idx.add.f32.msk vm7, v17  }
0x172: {  	vm1 =	vgt.f32 v9, $0.0e+00;
	v15 =	vmul.f32 $1.500000000e+01, v6;
	v16 =	vtrunc.f32 v12;
	[tilespmem:v33+s30+$0x0] =	vst.idx.add.f32.msk vm5, v5;
	v5 =	vmovc v29  }
0x173: {  	vm2 =	vgt.f32 v10, $0.0e+00;
	v17 =	vmul.f32 $1.500000000e+01, v4;
	v18 =	vcvt.f32.s32 v13;
	v11 =	vld [tilespmem:s23+$0xFFFFFFC0]  }
0x174: {  	v19 =	vmul.f32 $1.500000000e+01, v7;
	vm0 =	vgt.f32 v7, $0.0e+00;
	v20 =	vtrunc.f32 v15;
	v12 =	vld [tilespmem:s24+$0xFFFFFFC0]  }
0x175: {  	v22 =	vtrunc.f32 v14;
	v21 =	vmul.f32 $1.500000000e+01, v5;
	vm3 =	vgt.s32 v18, $0x0;
	v13 =	vld [tilespmem:s23+$0x0]  }
0x176: {  	v19 =	vtrunc.f32 v19;
	v23 =	vcvt.f32.s32 v16;
	v16 =	vnsel vm3, $0x0, v18;
	v14 =	vld [tilespmem:s24+$0x0]  }
0x177: {  	v19 =	vcvt.f32.s32 v19;
	v22 =	vcvt.f32.s32 v22;
	v18 =	vmin.u32 v16, $0xE;
	v15 =	vld [tilespmem:s23+$0xFFFFFFD0]  }
0x178: {  	vm3 =	vgt.s32 v23, $0x0;
	v21 =	vtrunc.f32 v21;
	v24 =	vshll.u32 v18, $0x4;
	v16 =	vld [tilespmem:s24+$0xFFFFFFD0]  }
0x179: {  	v17 =	vtrunc.f32 v17;
	v20 =	vcvt.f32.s32 v20;
	vm4 =	vgt.s32 v19, $0x0;
	v18 =	vld [tilespmem:s23+$0xFFFFFFF0]  }
0x17a: {  	v17 =	vcvt.f32.s32 v17;
	v25 =	vnsel vm4, $0x0, v19;
	v21 =	vcvt.f32.s32 v21;
	v19 =	vld [tilespmem:s24+$0xFFFFFFF0]  }
0x17b: {  	vm4 =	vgt.s32 v22, $0x0;
	v23 =	vnsel vm3, $0x0, v23;
	v25 =	vmin.u32 v25, $0xE;
	v27 =	vld [tilespmem:s23+$0x10]  }
0x17c: {  	vm5 =	vgt.s32 v20, $0x0;
	v23 =	vmin.u32 v23, $0xE;
	vm3 =	vgt.s32 v21, $0x0;
	v29 =	vld [tilespmem:s24+$0x10]  }
0x17d: {  	v20 =	vnsel vm5, $0x0, v20;
	v25 =	vshll.u32 v25, $0x4;
	v23 =	vshll.u32 v23, $0x4;
	v30 =	vld [tilespmem:s23+$0x20]  }
0x17e: {  	v28 =	vmin.u32 v20, $0xE;
	v20 =	vadd.s32 v3, v23;
	v21 =	vnsel vm3, $0x0, v21;
	v34 =	vld [tilespmem:s24+$0x20]  }
.Ltmp4:
0x17f: {  	v26 =	vor.u32 v0, v25;
	v39 =	vshll.u32 v28, $0x4;
	vm3 =	vgt.s32 v17, $0x0;
	v35 =	vld [tilespmem:s23+$0x30];
	(pc) =	sbr.rel @p1 .LBB2_6-.Ltmp4, $4  }
0x180: {  	v31 =	vor.u32 v0, v24;
	v21 =	vmin.u32 v21, $0xE;
	v28 =	vnsel vm3, $0x0, v17;
	v37 =	vld [tilespmem:s24+$0x30]  }
0x181: {  	v40 =	vnsel vm4, $0x0, v22;
	v33 =	vshll.u32 v21, $0x4;
	v28 =	vmin.u32 v28, $0xE;
	v17 =	vld [tilespmem:s21+$0xFFFFFFC0]  }
0x182: {  	v32 =	vor.u32 v0, v23;
	v21 =	vor.u32 v0, v39;
	v22 =	vor.u32 v0, v33;
	v36 =	vld [tilespmem:s23+$0xFFFFFFE0]  }
0x183: {  	v23 =	vadd.s32 v3, v39;
	v39 =	vmin.u32 v40, $0xE;
	v28 =	vshll.u32 v28, $0x4;
	s21 =	sadd.s32 $0x80, s21;
	v38 =	vld [tilespmem:s24+$0xFFFFFFE0]  }
0x184: {  	_ = 	snop  }
0x185: {  	v24 =	vadd.s32 v3, v24  }
0x186: {  	v39 =	vshll.u32 v39, $0x4;
	vm5 =	vgt.f32 v8, $0.0e+00  }
0x187: {  	v40 =	vor.u32 v0, v39;
	vm3 =	veq.s32 v37, v35  }
0x188: {  	vm4 =	veq.s32 v34, v30;
	vm15 =	vgt.f32 v5, $0.0e+00;
	v37 =	vsel vm3, $0x3F800800, v2  }
0x189: {  	v61 =	vadd.s32 v3, v39;
	v59 =	vmul.f32 $1.500000000e+01, v17;
	[tilespmem:v31+s30+$0x0] =	vst.idx.add.f32.msk vm1, v37;
	vm3 =	veq.s32 v38, v36  }
0x18a: {  	vm6 =	veq.s32 v29, v27;
	vm8 =	vgt.f32 v6, $0.0e+00;
	v60 =	vsel vm3, $0x3F800800, v2;
	[tilespmem:v24+s30+$0x0] =	vst.idx.add.f32.msk vm1, v9  }
0x18b: {  	v30 =	vtrunc.f32 v59;
	vm1 =	veq.s32 v19, v18;
	v18 =	vsel vm6, $0x3F800800, v2;
	[tilespmem:v26+s30+$0x0] =	vst.idx.add.f32.msk vm0, v60  }
0x18c: {  	v30 =	vcvt.f32.s32 v30;
	v26 =	vsel vm4, $0x3F800800, v2;
	[tilespmem:v40+s30+$0x0] =	vst.idx.add.f32.msk vm5, v18  }
0x18d: {  	vm12 =	veq.s32 v14, v13;
	v31 =	vor.u32 v0, v28;
	vm3 =	vgt.f32 v4, $0.0e+00;
	[tilespmem:v32+s30+$0x0] =	vst.idx.add.f32.msk vm2, v26  }
0x18e: {  	v19 =	vsel vm1, $0x3F800800, v2;
	vm1 =	veq.s32 v16, v15;
	vm7 =	vgt.s32 v30, $0x0;
	[tilespmem:v61+s30+$0x0] =	vst.idx.add.f32.msk vm5, v8  }
0x18f: {  	v14 =	vsel vm1, $0x3F800800, v2;
	v8 =	vadd.s32 v3, v28;
	v9 =	vnsel vm7, $0x0, v30;
	[tilespmem:v20+s30+$0x0] =	vst.idx.add.f32.msk vm2, v10  }
0x190: {  	v10 =	vadd.s32 v3, v25;
	[tilespmem:v22+s30+$0x0] =	vst.idx.add.f32.msk vm15, v14;
	v14 =	vsel vm12, $0x3F800800, v2;
	v9 =	vmin.u32 v9, $0xE  }
0x191: {  	vm2 =	vgt.f32 v17, $0.0e+00;
	[tilespmem:v21+s30+$0x0] =	vst.idx.add.f32.msk vm8, v14;
	v14 =	vadd.s32 v3, v33;
	v9 =	vshll.u32 v9, $0x4  }
0x192: {  	[tilespmem:v23+s30+$0x0] =	vst.idx.add.f32.msk vm8, v6;
	v13 =	vor.u32 v0, v9  }
0x193: {  	[tilespmem:v31+s30+$0x0] =	vst.idx.add.f32.msk vm3, v19;
	v9 =	vadd.s32 v3, v9  }
0x194: {  	[tilespmem:v8+s30+$0x0] =	vst.idx.add.f32.msk vm3, v4  }
0x195: {  	vm1 =	veq.s32 v12, v11;
	[tilespmem:v10+s30+$0x0] =	vst.idx.add.f32.msk vm0, v7  }
0x196: {  	v6 =	vsel vm1, $0x3F800800, v2;
	[tilespmem:v14+s30+$0x0] =	vst.idx.add.f32.msk vm15, v5  }
0x197: {  	[tilespmem:v13+s30+$0x0] =	vst.idx.add.f32.msk vm2, v6  }
0x198: {  	[tilespmem:v9+s30+$0x0] =	vst.idx.add.f32.msk vm2, v17  }
0x199: {  	_ =	swait.ge [sflag:s31], $0x1E80  }
0x19a: {  	[sflag:s31] =	ssyncset.done $0x0  }
0x19b: {  	[sflag:s31] =	ssyncadd.s32 $0xFFFFE180  }
0x19c: {  	_ =	swait.ge [sflag:s31], $0x1E80  }
0x19d: {  	[sflag:s31] =	ssyncset.done $0x0  }
0x19e: {  	[sflag:s31] =	ssyncadd.s32 $0xFFFFE180  }
0x19f: {  	_ =	swait.ge [sflag:s31], $0x1E80  }
0x1a0: {  	[sflag:s31] =	ssyncset.done $0x0  }
0x1a1: {  	s20 =	simm.s32 $0x5D40;
	[sflag:s31] =	ssyncadd.s32 $0xFFFFE180  }
0x1a2: {  	v9 =	vld [tilespmem:s20+$0x30]  }
0x1a3: {  	v10 =	vld [tilespmem:s20+$0x20]  }
0x1a4: {  	v8 =	vld [tilespmem:s20+$0x10]  }
0x1a5: {  	v6 =	vld [tilespmem:s20+$0x0]  }
0x1a6: {  	v4 =	vld [tilespmem:s20+$0xFFFFFFF0]  }
0x1a7: {  	v7 =	vld [tilespmem:s20+$0xFFFFFFE0]  }
0x1a8: {  	v5 =	vld [tilespmem:s20+$0xFFFFFFD0];
	_ =	sdelay $0x1  }
0x1a9: {  	v11 =	vmul.f32 $1.500000000e+01, v9  }
0x1aa: {  	v12 =	vmul.f32 $1.500000000e+01, v10;
	v14 =	vmul.f32 $1.500000000e+01, v8  }
0x1ab: {  	v15 =	vmul.f32 $1.500000000e+01, v6;
	v17 =	vmul.f32 $1.500000000e+01, v4  }
0x1ac: {  	v19 =	vmul.f32 $1.500000000e+01, v7;
	v21 =	vmul.f32 $1.500000000e+01, v5  }
0x1ad: {  	s23 =	simm.s32 $0x9B40;
	v13 =	vtrunc.f32 v11;
	v16 =	vtrunc.f32 v12  }
0x1ae: {  	s24 =	simm.s32 $0x7C40;
	v27 =	vld [tilespmem:s23+$0x10];
	v20 =	vtrunc.f32 v15;
	v22 =	vtrunc.f32 v14  }
0x1af: {  	v29 =	vld [tilespmem:s24+$0x10];
	v19 =	vtrunc.f32 v19;
	v21 =	vtrunc.f32 v21  }
0x1b0: {  	v30 =	vld [tilespmem:s23+$0x20];
	vm1 =	vgt.f32 v9, $0.0e+00;
	v17 =	vtrunc.f32 v17;
	v18 =	vcvt.f32.s32 v13  }
0x1b1: {  	v34 =	vld [tilespmem:s24+$0x20];
	vm2 =	vgt.f32 v10, $0.0e+00;
	v23 =	vcvt.f32.s32 v16;
	v19 =	vcvt.f32.s32 v19  }
0x1b2: {  	v35 =	vld [tilespmem:s23+$0x30];
	vm0 =	vgt.f32 v7, $0.0e+00;
	v22 =	vcvt.f32.s32 v22;
	v20 =	vcvt.f32.s32 v20  }
0x1b3: {  	v37 =	vld [tilespmem:s24+$0x30];
	v21 =	vcvt.f32.s32 v21;
	v17 =	vcvt.f32.s32 v17;
	vm3 =	vgt.s32 v18, $0x0  }
0x1b4: {  	v36 =	vld [tilespmem:s23+$0xFFFFFFE0];
	vm13 =	vgt.s32 v19, $0x0;
	vm14 =	vgt.s32 v22, $0x0;
	vm15 =	vgt.s32 v20, $0x0  }
0x1b5: {  	v38 =	vld [tilespmem:s24+$0xFFFFFFE0];
	v16 =	vnsel vm3, $0x0, v18;
	vm3 =	vgt.s32 v23, $0x0;
	v25 =	vnsel vm13, $0x0, v19  }
0x1b6: {  	v11 =	vld [tilespmem:s23+$0xFFFFFFC0];
	v20 =	vnsel vm15, $0x0, v20;
	v63 =	vnsel vm14, $0x0, v22;
	v18 =	vmin.u32 v16, $0xE  }
0x1b7: {  	v12 =	vld [tilespmem:s24+$0xFFFFFFC0];
	v25 =	vmin.u32 v25, $0xE;
	v23 =	vnsel vm3, $0x0, v23;
	vm3 =	vgt.s32 v21, $0x0  }
0x1b8: {  	v14 =	vld [tilespmem:s24+$0x0];
	v28 =	vmin.u32 v20, $0xE;
	v39 =	vmin.u32 v63, $0xE;
	v24 =	vshll.u32 v18, $0x4  }
0x1b9: {  	v15 =	vld [tilespmem:s23+$0xFFFFFFD0];
	v23 =	vmin.u32 v23, $0xE;
	v25 =	vshll.u32 v25, $0x4;
	v21 =	vnsel vm3, $0x0, v21  }
0x1ba: {  	v13 =	vld [tilespmem:s23+$0x0];
	vm3 =	vgt.s32 v17, $0x0;
	v62 =	vshll.u32 v28, $0x4;
	v23 =	vshll.u32 v23, $0x4  }
0x1bb: {  	v19 =	vld [tilespmem:s24+$0xFFFFFFF0];
	v26 =	vor.u32 v0, v25;
	v21 =	vmin.u32 v21, $0xE;
	v28 =	vnsel vm3, $0x0, v17  }
0x1bc: {  	v31 =	vor.u32 v0, v24;
	v17 =	vld [tilespmem:s20+$0xFFFFFFC0];
	v20 =	vadd.s32 v3, v23;
	v33 =	vshll.u32 v21, $0x4  }
0x1bd: {  	v16 =	vld [tilespmem:s24+$0xFFFFFFD0];
	v28 =	vmin.u32 v28, $0xE;
	v21 =	vor.u32 v0, v62;
	v32 =	vor.u32 v0, v23  }
0x1be: {  	s21 =	simm.s32 $0x5DC0;
	v18 =	vld [tilespmem:s23+$0xFFFFFFF0];
	s20 =	simm.s32 $0x0;
	v23 =	vadd.s32 v3, v62;
	v22 =	vor.u32 v0, v33;
	v28 =	vshll.u32 v28, $0x4  }
.LBB2_8:
0x1bf: {  	v40 =	vld [tilespmem:s21+$0x30];
	s20 =	sadd.s32 $0x80, s20;
	v41 =	vor.u32 v0, v28;
	vm3 =	veq.s32 v29, v27;
	v27 =	vshll.u32 v39, $0x4;
	s24 =	sadd.s32 $0x80, s24;
	s23 =	sadd.s32 $0x80, s23  }
0x1c0: {  	v33 =	vadd.s32 v3, v33;
	v29 =	vld [tilespmem:s21+$0xFFFFFFD0];
	p1 =	slt.u32 s20, $0x1E00;
	v39 =	vor.u32 v0, v27;
	vm4 =	veq.s32 v37, v35  }
0x1c1: {  	v24 =	vadd.s32 v3, v24;
	v35 =	vld [tilespmem:s21+$0xFFFFFFE0];
	v37 =	vmul.f32 $1.500000000e+01, v17;
	v42 =	vsel vm4, $0x3F800800, v2  }
0x1c2: {  	v25 =	vadd.s32 v3, v25;
	vm5 =	veq.s32 v34, v30;
	v27 =	vadd.s32 v3, v27;
	v43 =	vld [tilespmem:s21+$0xFFFFFFF0]  }
0x1c3: {  	vm9 =	veq.s32 v19, v18;
	v30 =	vld [tilespmem:s21+$0x0];
	v34 =	vtrunc.f32 v37;
	vm6 =	veq.s32 v38, v36  }
0x1c4: {  	vm8 =	veq.s32 v14, v13;
	vm4 =	veq.s32 v12, v11;
	v18 =	vld [tilespmem:s21+$0x10];
	v11 =	vcvt.f32.s32 v34  }
0x1c5: {  	vm10 =	veq.s32 v16, v15;
	vm11 =	vgt.f32 v8, $0.0e+00;
	v12 =	vld [tilespmem:s21+$0x20]  }
0x1c6: {  	v13 =	vsel vm6, $0x3F800800, v2;
	vm6 =	vgt.f32 v4, $0.0e+00;
	vm7 =	vgt.s32 v11, $0x0;
	[tilespmem:v31+s30+$0x0] =	vst.idx.add.f32.msk vm1, v42  }
0x1c7: {  	v14 =	vsel vm5, $0x3F800800, v2;
	v11 =	vnsel vm7, $0x0, v11;
	[tilespmem:v26+s30+$0x0] =	vst.idx.add.f32.msk vm0, v13;
	v13 =	vadd.s32 v3, v28  }
0x1c8: {  	vm5 =	vgt.f32 v5, $0.0e+00;
	v11 =	vmin.u32 v11, $0xE;
	[tilespmem:v32+s30+$0x0] =	vst.idx.add.f32.msk vm2, v14  }
0x1c9: {  	vm12 =	vgt.f32 v6, $0.0e+00;
	vm7 =	vgt.f32 v17, $0.0e+00;
	v11 =	vshll.u32 v11, $0x4;
	[tilespmem:v24+s30+$0x0] =	vst.idx.add.f32.msk vm1, v9;
	v9 =	vmovc v40  }
0x1ca: {  	v15 =	vsel vm3, $0x3F800800, v2;
	v14 =	vor.u32 v0, v11;
	v11 =	vadd.s32 v3, v11;
	[tilespmem:v20+s30+$0x0] =	vst.idx.add.f32.msk vm2, v10  }
0x1cb: {  	v16 =	vsel vm9, $0x3F800800, v2;
	v10 =	vmov v12;
	[tilespmem:v39+s30+$0x0] =	vst.idx.add.f32.msk vm11, v15  }
0x1cc: {  	[tilespmem:v41+s30+$0x0] =	vst.idx.add.f32.msk vm6, v16  }
0x1cd: {  	v12 =	vsel vm10, $0x3F800800, v2;
	[tilespmem:v27+s30+$0x0] =	vst.idx.add.f32.msk vm11, v8;
	v8 =	vmov v18  }
0x1ce: {  	[tilespmem:v22+s30+$0x0] =	vst.idx.add.f32.msk vm5, v12;
	v12 =	vsel vm8, $0x3F800800, v2  }
0x1cf: {  	[tilespmem:v21+s30+$0x0] =	vst.idx.add.f32.msk vm12, v12  }
0x1d0: {  	[tilespmem:v23+s30+$0x0] =	vst.idx.add.f32.msk vm12, v6;
	v6 =	vmov v30  }
0x1d1: {  	v12 =	vsel vm4, $0x3F800800, v2;
	[tilespmem:v25+s30+$0x0] =	vst.idx.add.f32.msk vm0, v7;
	v7 =	vmov v35  }
0x1d2: {  	v15 =	vmul.f32 $1.500000000e+01, v9;
	[tilespmem:v14+s30+$0x0] =	vst.idx.add.f32.msk vm7, v12  }
0x1d3: {  	v12 =	vmul.f32 $1.500000000e+01, v10;
	[tilespmem:v13+s30+$0x0] =	vst.idx.add.f32.msk vm6, v4;
	v4 =	vmov v43  }
0x1d4: {  	v14 =	vmul.f32 $1.500000000e+01, v8;
	v13 =	vtrunc.f32 v15;
	[tilespmem:v11+s30+$0x0] =	vst.idx.add.f32.msk vm7, v17  }
0x1d5: {  	vm1 =	vgt.f32 v9, $0.0e+00;
	v15 =	vmul.f32 $1.500000000e+01, v6;
	v16 =	vtrunc.f32 v12;
	[tilespmem:v33+s30+$0x0] =	vst.idx.add.f32.msk vm5, v5;
	v5 =	vmovc v29  }
0x1d6: {  	vm2 =	vgt.f32 v10, $0.0e+00;
	v17 =	vmul.f32 $1.500000000e+01, v4;
	v18 =	vcvt.f32.s32 v13;
	v11 =	vld [tilespmem:s23+$0xFFFFFFC0]  }
0x1d7: {  	v19 =	vmul.f32 $1.500000000e+01, v7;
	vm0 =	vgt.f32 v7, $0.0e+00;
	v20 =	vtrunc.f32 v15;
	v12 =	vld [tilespmem:s24+$0xFFFFFFC0]  }
0x1d8: {  	v22 =	vtrunc.f32 v14;
	v21 =	vmul.f32 $1.500000000e+01, v5;
	vm3 =	vgt.s32 v18, $0x0;
	v13 =	vld [tilespmem:s23+$0x0]  }
0x1d9: {  	v19 =	vtrunc.f32 v19;
	v23 =	vcvt.f32.s32 v16;
	v16 =	vnsel vm3, $0x0, v18;
	v14 =	vld [tilespmem:s24+$0x0]  }
0x1da: {  	v19 =	vcvt.f32.s32 v19;
	v22 =	vcvt.f32.s32 v22;
	v18 =	vmin.u32 v16, $0xE;
	v15 =	vld [tilespmem:s23+$0xFFFFFFD0]  }
0x1db: {  	vm3 =	vgt.s32 v23, $0x0;
	v21 =	vtrunc.f32 v21;
	v24 =	vshll.u32 v18, $0x4;
	v16 =	vld [tilespmem:s24+$0xFFFFFFD0]  }
0x1dc: {  	v17 =	vtrunc.f32 v17;
	v20 =	vcvt.f32.s32 v20;
	vm4 =	vgt.s32 v19, $0x0;
	v18 =	vld [tilespmem:s23+$0xFFFFFFF0]  }
0x1dd: {  	v17 =	vcvt.f32.s32 v17;
	v25 =	vnsel vm4, $0x0, v19;
	v21 =	vcvt.f32.s32 v21;
	v19 =	vld [tilespmem:s24+$0xFFFFFFF0]  }
0x1de: {  	vm4 =	vgt.s32 v22, $0x0;
	v23 =	vnsel vm3, $0x0, v23;
	v25 =	vmin.u32 v25, $0xE;
	v27 =	vld [tilespmem:s23+$0x10]  }
0x1df: {  	vm5 =	vgt.s32 v20, $0x0;
	v23 =	vmin.u32 v23, $0xE;
	vm3 =	vgt.s32 v21, $0x0;
	v29 =	vld [tilespmem:s24+$0x10]  }
0x1e0: {  	v20 =	vnsel vm5, $0x0, v20;
	v25 =	vshll.u32 v25, $0x4;
	v23 =	vshll.u32 v23, $0x4;
	v30 =	vld [tilespmem:s23+$0x20]  }
0x1e1: {  	v28 =	vmin.u32 v20, $0xE;
	v20 =	vadd.s32 v3, v23;
	v21 =	vnsel vm3, $0x0, v21;
	v34 =	vld [tilespmem:s24+$0x20]  }
.Ltmp5:
0x1e2: {  	v26 =	vor.u32 v0, v25;
	v39 =	vshll.u32 v28, $0x4;
	vm3 =	vgt.s32 v17, $0x0;
	v35 =	vld [tilespmem:s23+$0x30];
	(pc) =	sbr.rel @p1 .LBB2_8-.Ltmp5, $4  }
0x1e3: {  	v31 =	vor.u32 v0, v24;
	v21 =	vmin.u32 v21, $0xE;
	v28 =	vnsel vm3, $0x0, v17;
	v37 =	vld [tilespmem:s24+$0x30]  }
0x1e4: {  	v40 =	vnsel vm4, $0x0, v22;
	v33 =	vshll.u32 v21, $0x4;
	v28 =	vmin.u32 v28, $0xE;
	v17 =	vld [tilespmem:s21+$0xFFFFFFC0]  }
0x1e5: {  	v32 =	vor.u32 v0, v23;
	v21 =	vor.u32 v0, v39;
	v22 =	vor.u32 v0, v33;
	v36 =	vld [tilespmem:s23+$0xFFFFFFE0]  }
0x1e6: {  	v23 =	vadd.s32 v3, v39;
	v39 =	vmin.u32 v40, $0xE;
	v28 =	vshll.u32 v28, $0x4;
	s21 =	sadd.s32 $0x80, s21;
	v38 =	vld [tilespmem:s24+$0xFFFFFFE0]  }
0x1e7: {  	_ =	sdelay $0x1  }
0x1e8: {  	v39 =	vshll.u32 v39, $0x4  }
0x1e9: {  	v24 =	vadd.s32 v3, v24;
	vm4 =	veq.s32 v34, v30;
	vm5 =	vgt.f32 v8, $0.0e+00  }
0x1ea: {  	vm8 =	vgt.f32 v6, $0.0e+00;
	vm3 =	veq.s32 v37, v35;
	v53 =	vsel vm4, $0x3F800800, v2  }
0x1eb: {  	v40 =	vor.u32 v0, v39;
	v49 =	vmul.f32 $1.500000000e+01, v17;
	v37 =	vsel vm3, $0x3F800800, v2;
	[tilespmem:v32+s30+$0x0] =	vst.idx.add.f32.msk vm2, v53  }
0x1ec: {  	v54 =	vadd.s32 v3, v39;
	[tilespmem:v31+s30+$0x0] =	vst.idx.add.f32.msk vm1, v37  }
0x1ed: {  	vm4 =	vgt.f32 v5, $0.0e+00;
	[tilespmem:v20+s30+$0x0] =	vst.idx.add.f32.msk vm2, v10;
	vm10 =	veq.s32 v38, v36;
	v50 =	vtrunc.f32 v49  }
0x1ee: {  	vm6 =	veq.s32 v29, v27;
	v51 =	vsel vm10, $0x3F800800, v2;
	v30 =	vcvt.f32.s32 v50;
	[tilespmem:v24+s30+$0x0] =	vst.idx.add.f32.msk vm1, v9  }
0x1ef: {  	v57 =	vadd.s32 v3, v25;
	vm14 =	veq.s32 v14, v13;
	v56 =	vsel vm6, $0x3F800800, v2;
	[tilespmem:v26+s30+$0x0] =	vst.idx.add.f32.msk vm0, v51  }
0x1f0: {  	v61 =	vsel vm14, $0x3F800800, v2;
	vm3 =	vgt.f32 v4, $0.0e+00;
	[tilespmem:v40+s30+$0x0] =	vst.idx.add.f32.msk vm5, v56;
	vm7 =	vgt.s32 v30, $0x0  }
0x1f1: {  	v52 =	vor.u32 v0, v28;
	vm12 =	veq.s32 v16, v15;
	[tilespmem:v21+s30+$0x0] =	vst.idx.add.f32.msk vm8, v61;
	v55 =	vnsel vm7, $0x0, v30  }
0x1f2: {  	v62 =	vadd.s32 v3, v33;
	v59 =	vsel vm12, $0x3F800800, v2;
	[tilespmem:v54+s30+$0x0] =	vst.idx.add.f32.msk vm5, v8;
	v9 =	vmin.u32 v55, $0xE  }
0x1f3: {  	v60 =	vadd.s32 v3, v28;
	vm13 =	vgt.f32 v17, $0.0e+00;
	[tilespmem:v22+s30+$0x0] =	vst.idx.add.f32.msk vm4, v59;
	v9 =	vshll.u32 v9, $0x4  }
0x1f4: {  	vm11 =	veq.s32 v19, v18;
	[tilespmem:v23+s30+$0x0] =	vst.idx.add.f32.msk vm8, v6;
	v58 =	vor.u32 v0, v9  }
0x1f5: {  	v19 =	vsel vm11, $0x3F800800, v2;
	[tilespmem:v57+s30+$0x0] =	vst.idx.add.f32.msk vm0, v7;
	v9 =	vadd.s32 v3, v9  }
0x1f6: {  	[tilespmem:v52+s30+$0x0] =	vst.idx.add.f32.msk vm3, v19  }
0x1f7: {  	vm15 =	veq.s32 v12, v11;
	[tilespmem:v62+s30+$0x0] =	vst.idx.add.f32.msk vm4, v5  }
0x1f8: {  	v63 =	vsel vm15, $0x3F800800, v2;
	[tilespmem:v60+s30+$0x0] =	vst.idx.add.f32.msk vm3, v4  }
0x1f9: {  	[tilespmem:v58+s30+$0x0] =	vst.idx.add.f32.msk vm13, v63  }
0x1fa: {  	[tilespmem:v9+s30+$0x0] =	vst.idx.add.f32.msk vm13, v17  }
0x1fb: {  	_ =	swait.ge [sflag:s1], $0x40  }
0x1fc: {  	[sflag:s1] =	ssyncset.done $0x0  }
0x1fd: {  	[sflag:s1] =	ssyncadd.s32 $0xFFFFFFC0  }
0x1fe: {  	_ =	swait.ge [sflag:s1], $0x40  }
.Ltmp6:
0x1ff: {  	[sflag:s1] =	ssyncset.done $0x0;
	(pc) =	sbr.rel @p0 .LBB2_13-.Ltmp6, $4  }
0x200: {  	[sflag:s1] =	ssyncadd.s32 $0xFFFFFFC0  }
0x201: {  	_ =	swait.ge [sflag:s1], $0x40  }
0x202: {  	[sflag:s1] =	ssyncset.done $0x0  }
0x203: {  	[sflag:s1] =	ssyncadd.s32 $0xFFFFFFC0  }
0x204: {  	s20 =	simm.s32 $0xBA00  }
0x205: {  	v5 =	vld [tilespmem:s20+$0x0];
	_ =	sdelay $0x4  }
0x206: {  	v4 =	vmul.f32 $1.500000000e+01, v5  }
0x207: {  	s24 =	simm.s32 $0xBA10  }
0x208: {  	v6 =	vtrunc.f32 v4;
	v4 =	vld [tilespmem:s24+$0x0]  }
0x209: {  	v6 =	vcvt.f32.s32 v6;
	_ =	sdelay $0x1  }
0x20a: {  	s21 =	simm.s32 $0xBA80;
	vm0 =	vgt.s32 v6, $0x0  }
0x20b: {  	s20 =	simm.s32 $0xBB00;
	v7 =	vnsel vm0, $0x0, v6;
	v6 =	vld [tilespmem:s21+$0x0]  }
0x20c: {  	v8 =	vmin.u32 v7, $0xE;
	v7 =	vld [tilespmem:s20+$0x0];
	v9 =	vmul.f32 $1.500000000e+01, v4  }
0x20d: {  	s23 =	simm.s32 $0x10;
	s24 =	simm.s32 $0xBA20;
	vm0 =	vgt.f32 v5, $0.0e+00;
	v8 =	vshll.u32 v8, $0x4  }
.LBB2_11:
0x20e: {  	v10 =	vld [tilespmem:s24+$0x0];
	v9 =	vtrunc.f32 v9;
	v11 =	vor.u32 v0, v8;
	s23 =	sadd.s32 $0x10, s23  }
0x20f: {  	v12 =	vadd.s32 v3, v8;
	v9 =	vcvt.f32.s32 v9;
	p1 =	slt.u32 s23, $0x30  }
.Ltmp7:
0x210: {  	s21 =	sadd.s32 $0x10, s21;
	(pc) =	sbr.rel @p1 .LBB2_11-.Ltmp7, $4  }
0x211: {  	vm2 =	veq.s32 v6, v7;
	s20 =	sadd.s32 $0x10, s20;
	vm1 =	vgt.s32 v9, $0x0;
	v6 =	vld [tilespmem:s21+$0x0]  }
0x212: {  	v13 =	vsel vm2, $0x3F800800, v2;
	v7 =	vld [tilespmem:s20+$0x0];
	v8 =	vnsel vm1, $0x0, v9  }
0x213: {  	v9 =	vmul.f32 $1.500000000e+01, v10;
	v8 =	vmin.u32 v8, $0xE;
	[tilespmem:v11+s30+$0x0] =	vst.idx.add.f32.msk vm0, v13  }
0x214: {  	s24 =	sadd.s32 $0x10, s24;
	v8 =	vshll.u32 v8, $0x4;
	[tilespmem:v12+s30+$0x0] =	vst.idx.add.f32.msk vm0, v5;
	vm0 =	vgt.f32 v4, $0.0e+00;
	v5 =	vmovc v4;
	v4 =	vmov v10  }
.Ltmp8:
0x215: {  	_ = 	snop;
	(pc) =	sbr.rel .LBB2_12-.Ltmp8, $1  }
0x216: {  	_ =	sdelay $0x3  }
.LBB2_14:
0x217: {  	_ =	sfence.sel $0x180000  }
0x218: {  	[bflag:$0x0] =	sbarrier.arrive $0xFFFF  }
0x219: {  	_ =	strace $0x90000047  }
0x21a: {  	s0 =	stileid.u32;
	[bflag:$0x2] =	sbarrier.arrive $0xFFFF  }
0x21b: {  	p0 =	sne.s32 s0, $0x0;
	s0 =	rddreg [dreg:$0x4]  }
0x21c: {  	s0 =	sadd.s32 @!p0 $0x100000, s0  }
0x21d: {  	[sflag:s0] =	ssyncadd.tile.s32 @!p0 $0x1;
	_ =	shalt  }
.Lfunc_end2:
_tile_overlayer_lowered:
.L_overlay_start_2:
0x21e: {  	(tag) =	ssettag $0x2  }
0x21f: {  	s0 =	rddreg [dreg:$0x0];
	s2 =	stileid.u32  }
0x220: {  	s1 =	rddreg [dreg:$0x1];
	p0 =	sne.s32 s2, $0x0  }
0x221: {  	s3 =	rddreg [dreg:$0x2];
	[bflag:$0x3] =	sbarrier.arrive $0xFFFF;
	s2 =	simm.s32 @!p0 $0x1C04  }
0x222: {  	[timem:s3], [sflag:s2] =	dma.local @!p0 [hbm:s0], s1  }
0x223: {  	s0 =	simm.s32 @!p0 $0x4  }
0x224: {  	_ =	swait.ge @!p0 [sflag:s0], s1  }
0x225: {  	s1 =	ssub.s32 @!p0 $0x0, s1;
	[sflag:s0] =	ssyncset.done @!p0 $0x0  }
0x226: {  	[sflag:s0] =	ssyncadd.s32 @!p0 s1  }
0x227: {  	[bflag:$0x3] =	sbarrier.arrive $0xFFFF  }
0x228: {  	_ =	shalt  }

</sc_bundles>
